<compile_context>
chip_gen: v7x
topology: tpu7x:2x2x1
jax: 0.10.2.dev20260603
libtpu: 0.0.44.dev20260713+nightly
codegen_flags: <defaults>
</compile_context>

<pallas_src>
import functools

import jax
import jax.numpy as jnp
from jax import lax
from jax.experimental import pallas as pl
from jax.experimental.pallas import tpu as pltpu
from jax.experimental.pallas import tpu_sc as plsc

_VOCAB = 1000000
_EMB = 64
_B = 4096
_L = 200

_CH = 4096
_NBUF = 8
_STEP_ROWS = _CH * _NBUF
_NG = -(-_VOCAB // _STEP_ROWS)
_NCHUNK = _NG * _NBUF
_TVP = _NCHUNK * _CH
_CLAMP = _VOCAB - _CH
_TAIL = (_CLAMP // _CH + 1) * _CH
_SHIFT = _TAIL - _CLAMP

_NC, _NS = 2, 16
_NW = _NC * _NS
_DPW = _B // _NW
_IPW = _L * _DPW


def _tv_body(w_ref, x_ref, tbl_ref, o_ref, xw_ref, *scratch):
    bufs = scratch[:_NBUF]
    sems = scratch[_NBUF:]
    g = pl.program_id(0)
    wv = w_ref[...]

    xb = x_ref[...]
    xt = jnp.concatenate([xb[:_DPW].T, xb[_DPW:].T], axis=0)
    xw_ref[...] = xt + jnp.where(xt >= _TAIL, _SHIFT, 0)

    def cbase(c):
        return jnp.minimum(c * _CH, _CLAMP)

    def issue(c, k):
        pltpu.async_copy(tbl_ref.at[pl.ds(cbase(c), _CH), :], bufs[k],
                         sems[k])

    @pl.when(g == 0)
    def _():
        for k in range(_NBUF):
            issue(k, k)

    for k in range(_NBUF):
        c = g * _NBUF + k
        cs = cbase(c)
        pltpu.make_async_copy(tbl_ref.at[pl.ds(cs, _CH), :], bufs[k],
                              sems[k]).wait()
        dot = jnp.sum(bufs[k][...] * wv, axis=1)
        gid = lax.broadcasted_iota(jnp.int32, (_CH,), 0) + cs
        o_ref[pl.ds(k * _CH, _CH)] = jnp.where(gid == 0, 0.0, dot)
        nxt = c + _NBUF

        @pl.when(nxt < _NCHUNK)
        def _():
            issue(nxt, k)


def _compute_tv(table, W, x):
    return pl.pallas_call(
        _tv_body,
        grid=(_NG,),
        in_specs=[
            pl.BlockSpec((1, _EMB), lambda i: (0, 0)),
            pl.BlockSpec((2 * _DPW, _L),
                         lambda i: (jnp.minimum(i, _NW // 2 - 1), 0)),
            pl.BlockSpec(memory_space=pltpu.MemorySpace.HBM),
        ],
        out_specs=[
            pl.BlockSpec((_STEP_ROWS,), lambda i: (i,)),
            pl.BlockSpec((2 * _L, _DPW),
                         lambda i: (jnp.minimum(i, _NW // 2 - 1), 0)),
        ],
        out_shape=[
            jax.ShapeDtypeStruct((_TVP,), jnp.float32),
            jax.ShapeDtypeStruct((_NW * _L, _DPW), jnp.int32),
        ],
        scratch_shapes=(
            [pltpu.VMEM((_CH, _EMB), jnp.float32)] * _NBUF
            + [pltpu.SemaphoreType.DMA] * _NBUF
        ),
    )(W, x, table)


@functools.partial(
    pl.kernel,
    out_type=jax.ShapeDtypeStruct((_B,), jnp.float32),
    mesh=plsc.VectorSubcoreMesh(core_axis_name="c", subcore_axis_name="s"),
    scratch_types=[
        pltpu.VMEM((_IPW,), jnp.int32),
        pltpu.VMEM((_IPW,), jnp.float32),
        pltpu.VMEM((_DPW,), jnp.float32),
        pltpu.VMEM((16,), jnp.float32),
        pltpu.SemaphoreType.DMA,
    ],
)
def _sc_pool(xw_hbm, tv_hbm, b_hbm, out_hbm, idx_v, vals_v, out_v, b_v, sem):
    wid = lax.axis_index("s") * _NC + lax.axis_index("c")
    base = wid * _DPW
    pltpu.sync_copy(b_hbm, b_v)
    pltpu.sync_copy(xw_hbm.at[pl.ds(wid * _IPW, _IPW)], idx_v)
    pltpu.async_copy(tv_hbm.at[idx_v], vals_v, sem).wait()
    bias = b_v[...]
    nchunk = _DPW // 16

    def body(r, accs):
        off = r * _DPW
        return tuple(a + vals_v[pl.ds(off + 16 * c, 16)]
                     for c, a in enumerate(accs))

    accs = lax.fori_loop(0, _L, body, (bias,) * nchunk)
    for c in range(nchunk):
        out_v[pl.ds(c * 16, 16)] = accs[c]
    pltpu.sync_copy(out_v, out_hbm.at[pl.ds(base, _DPW)])


def kernel(x, table, W, b):
    b16 = jnp.broadcast_to(b.astype(jnp.float32), (16,))
    ws = W.astype(jnp.float32) * (1.0 / _L)
    tv, xw = _compute_tv(table, ws, x.astype(jnp.int32))
    out = _sc_pool(xw.reshape(_B * _L), tv, b16)
    return out.reshape(_B, 1)

# --- scband reference (transcript-rebuilt; emitter-appended) ---
"""Pipeline reference for scband-simple-classifier-76776835384054 (READ-ONLY COPY).

The authoritative reference and input builder live on the scoring server;
editing this copy changes nothing except your own understanding.
"""

import jax, jax.numpy as jnp
import numpy as np

VOCAB = 1000000
EMB = 64
PAD_IDX = 0

def setup_inputs(seed: int = 0) -> dict:
    key = jax.random.key(seed)
    k1, k2, k3, k4 = jax.random.split(key, 4)
    x = jax.random.randint(k1, (4096, 200), 0, VOCAB, dtype=jnp.int64)
    table = jax.random.normal(k2, (VOCAB, EMB), dtype=jnp.float32) * 0.02
    table = table.at[PAD_IDX].set(0.0)
    W = jax.random.normal(k3, (1, EMB), dtype=jnp.float32) * (1.0 / np.sqrt(EMB))
    b = jax.random.normal(k4, (1,), dtype=jnp.float32) * 0.01
    return {"x": x, "table": table, "W": W, "b": b}

def reference(x, table, W, b):
    # nn.Embedding with padding_idx: row PAD_IDX is forced to zero
    tbl = table.at[PAD_IDX].set(0.0)
    emb = jnp.take(tbl, x, axis=0)            # [B, L, EMB] gather
    doc_emb = jnp.mean(emb, axis=1)           # [B, EMB]
    logits = doc_emb @ W.T + b                # [B, 1]
    return logits

if __name__ == "__main__":
    import jax
    _d = setup_inputs()
    print(jax.jit(kernel)(*tuple(_d.values())))

</pallas_src>

<mosaic_0001>
#map = affine_map<(d0, d1) -> (0)>
module attributes {stable_mosaic.version = 14 : i64} {
  func.func @_sc_pool(%arg0: i32, %arg1: i32, %arg2: memref<819200xi32, #tpu.memory_space<hbm>>, %arg3: memref<1015808xf32, #tpu.memory_space<hbm>>, %arg4: memref<16xf32, #tpu.memory_space<hbm>>, %arg5: memref<4096xf32, #tpu.memory_space<hbm>>, %arg6: memref<25600xi32, #tpu.memory_space<vmem>>, %arg7: memref<25600xf32, #tpu.memory_space<vmem>>, %arg8: memref<128xf32, #tpu.memory_space<vmem>>, %arg9: memref<16xf32, #tpu.memory_space<vmem>>, %arg10: memref<!tpu.dma_semaphore, #tpu.memory_space<semaphore_mem>>) attributes {dimension_semantics = [#tpu.dimension_semantics<core_parallel>, #tpu.dimension_semantics<subcore_parallel>], iteration_bounds = array<i64: 2, 16>, scalar_prefetch = 0 : i64, scratch_operands = 5 : i64, tpu.core_type = #tpu.core_type<sc_vector_subcore>, window_params = [{transform_indices = #map}, {transform_indices = #map}, {transform_indices = #map}, {transform_indices = #map}]} {
    %mul3A = arith.constant 2 : i32
    %mul3A_0 = arith.muli %arg1, %mul3A : i32
    %add3A = arith.addi %mul3A_0, %arg0 : i32
    %mul3A_1 = arith.constant 128 : i32
    %mul3A_2 = arith.muli %add3A, %mul3A_1 : i32
    "tpu.region"() ({
      %run_scoped3A = tpu.sem_alloc : memref<!tpu.dma_semaphore, #tpu.memory_space<semaphore_mem>>
      tpu.enqueue_dma source(%arg4 : memref<16xf32, #tpu.memory_space<hbm>>) target(%arg9 : memref<16xf32, #tpu.memory_space<vmem>>) target_semaphore(%run_scoped3A : memref<!tpu.dma_semaphore, #tpu.memory_space<semaphore_mem>>)
      tpu.wait_dma2 semaphore(%run_scoped3A : memref<!tpu.dma_semaphore, #tpu.memory_space<semaphore_mem>>) src(%arg4 : memref<16xf32, #tpu.memory_space<hbm>>) dst(%arg9 : memref<16xf32, #tpu.memory_space<vmem>>)
      tpu.yield
    }) : () -> ()
    %mul3A_3 = arith.constant 25600 : i32
    %mul3A_4 = arith.muli %add3A, %mul3A_3 : i32
    "tpu.region"() ({
      %run_scoped3A = tpu.sem_alloc : memref<!tpu.dma_semaphore, #tpu.memory_space<semaphore_mem>>
      %dma_start3A_45 = tpu.memref_slice %arg2[%mul3A_4] : memref<819200xi32, #tpu.memory_space<hbm>> -> memref<25600xi32, #tpu.memory_space<hbm>>
      %dma_start3A_46 = tpu.memref_slice %arg2[%mul3A_4] : memref<819200xi32, #tpu.memory_space<hbm>> -> memref<25600xi32, #tpu.memory_space<hbm>>
      tpu.enqueue_dma source(%dma_start3A_46 : memref<25600xi32, #tpu.memory_space<hbm>>) target(%arg6 : memref<25600xi32, #tpu.memory_space<vmem>>) target_semaphore(%run_scoped3A : memref<!tpu.dma_semaphore, #tpu.memory_space<semaphore_mem>>)
      %dma_wait3A_47 = tpu.memref_slice %arg2[%mul3A_4] : memref<819200xi32, #tpu.memory_space<hbm>> -> memref<25600xi32, #tpu.memory_space<hbm>>
      %dma_wait3A_48 = tpu.memref_slice %arg2[%mul3A_4] : memref<819200xi32, #tpu.memory_space<hbm>> -> memref<25600xi32, #tpu.memory_space<hbm>>
      tpu.wait_dma2 semaphore(%run_scoped3A : memref<!tpu.dma_semaphore, #tpu.memory_space<semaphore_mem>>) src(%dma_wait3A_48 : memref<25600xi32, #tpu.memory_space<hbm>>) dst(%arg6 : memref<25600xi32, #tpu.memory_space<vmem>>)
      tpu.yield
    }) : () -> ()
    %dma_start3A = arith.constant 0 : i32
    %dma_start3A_5 = tpu.memref_slice %arg3[%dma_start3A] : memref<1015808xf32, #tpu.memory_space<hbm>> -> memref<1015808xf32, #tpu.memory_space<hbm>>
    tpu.enqueue_indirect_dma source(%dma_start3A_5 : memref<1015808xf32, #tpu.memory_space<hbm>>) target(%arg7 : memref<25600xf32, #tpu.memory_space<vmem>>) offsets(%arg6 : memref<25600xi32, #tpu.memory_space<vmem>>) semaphore(%arg10 : memref<!tpu.dma_semaphore, #tpu.memory_space<semaphore_mem>>)
    %dma_wait3A = arith.constant 0 : i32
    %dma_wait3A_6 = tpu.memref_slice %arg3[%dma_wait3A] : memref<1015808xf32, #tpu.memory_space<hbm>> -> memref<1015808xf32, #tpu.memory_space<hbm>>
    tpu.wait_indirect_dma semaphore(%arg10 : memref<!tpu.dma_semaphore, #tpu.memory_space<semaphore_mem>>) src(%dma_wait3A_6 : memref<1015808xf32, #tpu.memory_space<hbm>>) dst(%arg7 : memref<25600xf32, #tpu.memory_space<vmem>>)
    %get3A = arith.constant 0 : index
    %get3A_7 = tpu.vector_load %arg9[%get3A] {strides = array<i32>} : memref<16xf32, #tpu.memory_space<vmem>>, vector<16xf32>,
    %get3A_8 = vector.shape_cast %get3A_7 : vector<16xf32> to vector<16xf32>
    %scan3A = arith.constant 0 : i32
    %scan3A_9 = arith.constant 200 : i32
    %scan3A_10 = arith.addi %scan3A, %scan3A_9 : i32
    %scan3A_11 = arith.constant 1 : i32
    %scan3A_12:8 = scf.for %scan3A_45 = %scan3A to %scan3A_10 step %scan3A_11 iter_args(%scan3A_46 = %get3A_8, %scan3A_47 = %get3A_8, %scan3A_48 = %get3A_8, %scan3A_49 = %get3A_8, %scan3A_50 = %get3A_8, %scan3A_51 = %get3A_8, %scan3A_52 = %get3A_8, %scan3A_53 = %get3A_8) -> (vector<16xf32>, vector<16xf32>, vector<16xf32>, vector<16xf32>, vector<16xf32>, vector<16xf32>, vector<16xf32>, vector<16xf32>)  : i32 {
      %mul3A_54 = arith.constant 128 : i32
      %mul3A_55 = arith.muli %scan3A_45, %mul3A_54 : i32
      %add3A_56 = arith.constant 0 : i32
      %add3A_57 = arith.addi %mul3A_55, %add3A_56 : i32
      %get3A_58 = arith.index_cast %add3A_57 : i32 to index
      %get3A_59 = tpu.vector_load %arg7[%get3A_58] {strides = array<i32>} : memref<25600xf32, #tpu.memory_space<vmem>>, vector<16xf32>,
      %get3A_60 = vector.shape_cast %get3A_59 : vector<16xf32> to vector<16xf32>
      %add3A_61 = arith.addf %scan3A_46, %get3A_60 : vector<16xf32>
      %add3A_62 = arith.constant 16 : i32
      %add3A_63 = arith.addi %mul3A_55, %add3A_62 : i32
      %get3A_64 = arith.index_cast %add3A_63 : i32 to index
      %get3A_65 = tpu.vector_load %arg7[%get3A_64] {strides = array<i32>} : memref<25600xf32, #tpu.memory_space<vmem>>, vector<16xf32>,
      %get3A_66 = vector.shape_cast %get3A_65 : vector<16xf32> to vector<16xf32>
      %add3A_67 = arith.addf %scan3A_47, %get3A_66 : vector<16xf32>
      %add3A_68 = arith.constant 32 : i32
      %add3A_69 = arith.addi %mul3A_55, %add3A_68 : i32
      %get3A_70 = arith.index_cast %add3A_69 : i32 to index
      %get3A_71 = tpu.vector_load %arg7[%get3A_70] {strides = array<i32>} : memref<25600xf32, #tpu.memory_space<vmem>>, vector<16xf32>,
      %get3A_72 = vector.shape_cast %get3A_71 : vector<16xf32> to vector<16xf32>
      %add3A_73 = arith.addf %scan3A_48, %get3A_72 : vector<16xf32>
      %add3A_74 = arith.constant 48 : i32
      %add3A_75 = arith.addi %mul3A_55, %add3A_74 : i32
      %get3A_76 = arith.index_cast %add3A_75 : i32 to index
      %get3A_77 = tpu.vector_load %arg7[%get3A_76] {strides = array<i32>} : memref<25600xf32, #tpu.memory_space<vmem>>, vector<16xf32>,
      %get3A_78 = vector.shape_cast %get3A_77 : vector<16xf32> to vector<16xf32>
      %add3A_79 = arith.addf %scan3A_49, %get3A_78 : vector<16xf32>
      %add3A_80 = arith.constant 64 : i32
      %add3A_81 = arith.addi %mul3A_55, %add3A_80 : i32
      %get3A_82 = arith.index_cast %add3A_81 : i32 to index
      %get3A_83 = tpu.vector_load %arg7[%get3A_82] {strides = array<i32>} : memref<25600xf32, #tpu.memory_space<vmem>>, vector<16xf32>,
      %get3A_84 = vector.shape_cast %get3A_83 : vector<16xf32> to vector<16xf32>
      %add3A_85 = arith.addf %scan3A_50, %get3A_84 : vector<16xf32>
      %add3A_86 = arith.constant 80 : i32
      %add3A_87 = arith.addi %mul3A_55, %add3A_86 : i32
      %get3A_88 = arith.index_cast %add3A_87 : i32 to index
      %get3A_89 = tpu.vector_load %arg7[%get3A_88] {strides = array<i32>} : memref<25600xf32, #tpu.memory_space<vmem>>, vector<16xf32>,
      %get3A_90 = vector.shape_cast %get3A_89 : vector<16xf32> to vector<16xf32>
      %add3A_91 = arith.addf %scan3A_51, %get3A_90 : vector<16xf32>
      %add3A_92 = arith.constant 96 : i32
      %add3A_93 = arith.addi %mul3A_55, %add3A_92 : i32
      %get3A_94 = arith.index_cast %add3A_93 : i32 to index
      %get3A_95 = tpu.vector_load %arg7[%get3A_94] {strides = array<i32>} : memref<25600xf32, #tpu.memory_space<vmem>>, vector<16xf32>,
      %get3A_96 = vector.shape_cast %get3A_95 : vector<16xf32> to vector<16xf32>
      %add3A_97 = arith.addf %scan3A_52, %get3A_96 : vector<16xf32>
      %add3A_98 = arith.constant 112 : i32
      %add3A_99 = arith.addi %mul3A_55, %add3A_98 : i32
      %get3A_100 = arith.index_cast %add3A_99 : i32 to index
      %get3A_101 = tpu.vector_load %arg7[%get3A_100] {strides = array<i32>} : memref<25600xf32, #tpu.memory_space<vmem>>, vector<16xf32>,
      %get3A_102 = vector.shape_cast %get3A_101 : vector<16xf32> to vector<16xf32>
      %add3A_103 = arith.addf %scan3A_53, %get3A_102 : vector<16xf32>
      scf.yield %add3A_61, %add3A_67, %add3A_73, %add3A_79, %add3A_85, %add3A_91, %add3A_97, %add3A_103 : vector<16xf32>, vector<16xf32>, vector<16xf32>, vector<16xf32>, vector<16xf32>, vector<16xf32>, vector<16xf32>, vector<16xf32>
    }
    %scan3A_13 = arith.constant 200 : i32
    %swap3A = arith.constant 0 : index
    %swap3A_14 = tpu.vector_load %arg8[%swap3A] {strides = array<i32>} : memref<128xf32, #tpu.memory_space<vmem>>, vector<16xf32>,
    %swap3A_15 = vector.shape_cast %swap3A_14 : vector<16xf32> to vector<16xf32>
    %swap3A_16 = vector.shape_cast %scan3A_12#0 : vector<16xf32> to vector<16xf32>
    tpu.vector_store %arg8[%swap3A], %swap3A_16 {strides = array<i32>} : memref<128xf32, #tpu.memory_space<vmem>>, vector<16xf32>,
    %swap3A_17 = arith.constant 16 : index
    %swap3A_18 = tpu.vector_load %arg8[%swap3A_17] {strides = array<i32>} : memref<128xf32, #tpu.memory_space<vmem>>, vector<16xf32>,
    %swap3A_19 = vector.shape_cast %swap3A_18 : vector<16xf32> to vector<16xf32>
    %swap3A_20 = vector.shape_cast %scan3A_12#1 : vector<16xf32> to vector<16xf32>
    tpu.vector_store %arg8[%swap3A_17], %swap3A_20 {strides = array<i32>} : memref<128xf32, #tpu.memory_space<vmem>>, vector<16xf32>,
    %swap3A_21 = arith.constant 32 : index
    %swap3A_22 = tpu.vector_load %arg8[%swap3A_21] {strides = array<i32>} : memref<128xf32, #tpu.memory_space<vmem>>, vector<16xf32>,
    %swap3A_23 = vector.shape_cast %swap3A_22 : vector<16xf32> to vector<16xf32>
    %swap3A_24 = vector.shape_cast %scan3A_12#2 : vector<16xf32> to vector<16xf32>
    tpu.vector_store %arg8[%swap3A_21], %swap3A_24 {strides = array<i32>} : memref<128xf32, #tpu.memory_space<vmem>>, vector<16xf32>,
    %swap3A_25 = arith.constant 48 : index
    %swap3A_26 = tpu.vector_load %arg8[%swap3A_25] {strides = array<i32>} : memref<128xf32, #tpu.memory_space<vmem>>, vector<16xf32>,
    %swap3A_27 = vector.shape_cast %swap3A_26 : vector<16xf32> to vector<16xf32>
    %swap3A_28 = vector.shape_cast %scan3A_12#3 : vector<16xf32> to vector<16xf32>
    tpu.vector_store %arg8[%swap3A_25], %swap3A_28 {strides = array<i32>} : memref<128xf32, #tpu.memory_space<vmem>>, vector<16xf32>,
    %swap3A_29 = arith.constant 64 : index
    %swap3A_30 = tpu.vector_load %arg8[%swap3A_29] {strides = array<i32>} : memref<128xf32, #tpu.memory_space<vmem>>, vector<16xf32>,
    %swap3A_31 = vector.shape_cast %swap3A_30 : vector<16xf32> to vector<16xf32>
    %swap3A_32 = vector.shape_cast %scan3A_12#4 : vector<16xf32> to vector<16xf32>
    tpu.vector_store %arg8[%swap3A_29], %swap3A_32 {strides = array<i32>} : memref<128xf32, #tpu.memory_space<vmem>>, vector<16xf32>,
    %swap3A_33 = arith.constant 80 : index
    %swap3A_34 = tpu.vector_load %arg8[%swap3A_33] {strides = array<i32>} : memref<128xf32, #tpu.memory_space<vmem>>, vector<16xf32>,
    %swap3A_35 = vector.shape_cast %swap3A_34 : vector<16xf32> to vector<16xf32>
    %swap3A_36 = vector.shape_cast %scan3A_12#5 : vector<16xf32> to vector<16xf32>
    tpu.vector_store %arg8[%swap3A_33], %swap3A_36 {strides = array<i32>} : memref<128xf32, #tpu.memory_space<vmem>>, vector<16xf32>,
    %swap3A_37 = arith.constant 96 : index
    %swap3A_38 = tpu.vector_load %arg8[%swap3A_37] {strides = array<i32>} : memref<128xf32, #tpu.memory_space<vmem>>, vector<16xf32>,
    %swap3A_39 = vector.shape_cast %swap3A_38 : vector<16xf32> to vector<16xf32>
    %swap3A_40 = vector.shape_cast %scan3A_12#6 : vector<16xf32> to vector<16xf32>
    tpu.vector_store %arg8[%swap3A_37], %swap3A_40 {strides = array<i32>} : memref<128xf32, #tpu.memory_space<vmem>>, vector<16xf32>,
    %swap3A_41 = arith.constant 112 : index
    %swap3A_42 = tpu.vector_load %arg8[%swap3A_41] {strides = array<i32>} : memref<128xf32, #tpu.memory_space<vmem>>, vector<16xf32>,
    %swap3A_43 = vector.shape_cast %swap3A_42 : vector<16xf32> to vector<16xf32>
    %swap3A_44 = vector.shape_cast %scan3A_12#7 : vector<16xf32> to vector<16xf32>
    tpu.vector_store %arg8[%swap3A_41], %swap3A_44 {strides = array<i32>} : memref<128xf32, #tpu.memory_space<vmem>>, vector<16xf32>,
    "tpu.region"() ({
      %run_scoped3A = tpu.sem_alloc : memref<!tpu.dma_semaphore, #tpu.memory_space<semaphore_mem>>
      %dma_start3A_45 = tpu.memref_slice %arg5[%mul3A_2] : memref<4096xf32, #tpu.memory_space<hbm>> -> memref<128xf32, #tpu.memory_space<hbm>>
      %dma_start3A_46 = tpu.memref_slice %arg5[%mul3A_2] : memref<4096xf32, #tpu.memory_space<hbm>> -> memref<128xf32, #tpu.memory_space<hbm>>
      tpu.enqueue_dma source(%arg8 : memref<128xf32, #tpu.memory_space<vmem>>) target(%dma_start3A_46 : memref<128xf32, #tpu.memory_space<hbm>>) target_semaphore(%run_scoped3A : memref<!tpu.dma_semaphore, #tpu.memory_space<semaphore_mem>>)
      %dma_wait3A_47 = tpu.memref_slice %arg5[%mul3A_2] : memref<4096xf32, #tpu.memory_space<hbm>> -> memref<128xf32, #tpu.memory_space<hbm>>
      %dma_wait3A_48 = tpu.memref_slice %arg5[%mul3A_2] : memref<4096xf32, #tpu.memory_space<hbm>> -> memref<128xf32, #tpu.memory_space<hbm>>
      tpu.wait_dma2 semaphore(%run_scoped3A : memref<!tpu.dma_semaphore, #tpu.memory_space<semaphore_mem>>) src(%arg8 : memref<128xf32, #tpu.memory_space<vmem>>) dst(%dma_wait3A_48 : memref<128xf32, #tpu.memory_space<hbm>>)
      tpu.yield
    }) : () -> ()
    return
  }
}

module attributes {stable_mosaic.version = 14 : i64} {
  func.func @_tv_body(%arg0: i32, %arg1: memref<1x64xf32, #tpu.memory_space<vmem>>, %arg2: memref<256x200xi32, #tpu.memory_space<vmem>>, %arg3: memref<1000000x64xf32, #tpu.memory_space<hbm>>, %arg4: memref<32768xf32, #tpu.memory_space<vmem>>, %arg5: memref<400x128xi32, #tpu.memory_space<vmem>>, %arg6: memref<4096x64xf32, #tpu.memory_space<vmem>>, %arg7: memref<4096x64xf32, #tpu.memory_space<vmem>>, %arg8: memref<4096x64xf32, #tpu.memory_space<vmem>>, %arg9: memref<4096x64xf32, #tpu.memory_space<vmem>>, %arg10: memref<4096x64xf32, #tpu.memory_space<vmem>>, %arg11: memref<4096x64xf32, #tpu.memory_space<vmem>>, %arg12: memref<4096x64xf32, #tpu.memory_space<vmem>>, %arg13: memref<4096x64xf32, #tpu.memory_space<vmem>>, %arg14: memref<!tpu.dma_semaphore, #tpu.memory_space<semaphore_mem>>, %arg15: memref<!tpu.dma_semaphore, #tpu.memory_space<semaphore_mem>>, %arg16: memref<!tpu.dma_semaphore, #tpu.memory_space<semaphore_mem>>, %arg17: memref<!tpu.dma_semaphore, #tpu.memory_space<semaphore_mem>>, %arg18: memref<!tpu.dma_semaphore, #tpu.memory_space<semaphore_mem>>, %arg19: memref<!tpu.dma_semaphore, #tpu.memory_space<semaphore_mem>>, %arg20: memref<!tpu.dma_semaphore, #tpu.memory_space<semaphore_mem>>, %arg21: memref<!tpu.dma_semaphore, #tpu.memory_space<semaphore_mem>>) attributes {dimension_semantics = [#tpu.dimension_semantics<arbitrary>], iteration_bounds = array<i64: 31>, scalar_prefetch = 0 : i64, scratch_operands = 16 : i64, tpu.core_type = #tpu.core_type<tc>, window_params = [{pipeline_mode = #tpu.pipeline_mode<synchronous>, transform_indices = @transform_0, window_bounds = array<i64: 1, 64>}, {transform_indices = @transform_1, window_bounds = array<i64: 256, 200>}, {}, {transform_indices = @transform_3, window_bounds = array<i64: 32768>}, {transform_indices = @transform_4, window_bounds = array<i64: 400, 128>}]} {
    %get3A = arith.constant 0 : index
    %get3A_0 = arith.constant 0 : index
    %get3A_1 = vector.load %arg1[%get3A, %get3A_0] : memref<1x64xf32, #tpu.memory_space<vmem>>, vector<1x64xf32>
    %get3A_2 = arith.constant 0 : index
    %get3A_3 = arith.constant 0 : index
    %get3A_4 = vector.load %arg2[%get3A_2, %get3A_3] : memref<256x200xi32, #tpu.memory_space<vmem>>, vector<256x200xi32>
    %slice3A = vector.extract_strided_slice %get3A_4 {offsets = [0, 0], sizes = [128, 200], strides = [1, 1]} : vector<256x200xi32> to vector<128x200xi32>
    %transpose3A = tpu.transpose %slice3A, [1, 0] : vector<128x200xi32> -> vector<200x128xi32>
    %slice3A_5 = vector.extract_strided_slice %get3A_4 {offsets = [128, 0], sizes = [128, 200], strides = [1, 1]} : vector<256x200xi32> to vector<128x200xi32>
    %transpose3A_6 = tpu.transpose %slice3A_5, [1, 0] : vector<128x200xi32> -> vector<200x128xi32>
    %concatenate3A = tpu.concatenate %transpose3A, %transpose3A_6 in 0 : vector<200x128xi32>, vector<200x128xi32> -> vector<400x128xi32>
    %ge3A = arith.constant 999424 : i32
    %ge3A_7 = vector.broadcast %ge3A : i32 to vector<400x128xi32>
    %ge3A_8 = arith.cmpi sge, %concatenate3A, %ge3A_7 : vector<400x128xi32>
    %jit3A = arith.constant 3520 : i32
    %jit3A_9 = arith.constant 0 : i32
    %broadcast_in_dim3A = vector.broadcast %jit3A : i32 to vector<400x128xi32>
    %broadcast_in_dim3A_10 = vector.broadcast %jit3A_9 : i32 to vector<400x128xi32>
    %select_n3A = arith.select %ge3A_8, %broadcast_in_dim3A, %broadcast_in_dim3A_10 : vector<400x128xi1>, vector<400x128xi32>
    %add3A = arith.addi %concatenate3A, %select_n3A : vector<400x128xi32>
    %swap3A = arith.constant 0 : index
    %swap3A_11 = arith.constant 0 : index
    %swap3A_12 = vector.load %arg5[%swap3A, %swap3A_11] : memref<400x128xi32, #tpu.memory_space<vmem>>, vector<400x128xi32>
    tpu.vector_store %arg5[%swap3A, %swap3A_11], %add3A {strides = array<i32>} : memref<400x128xi32, #tpu.memory_space<vmem>>, vector<400x128xi32>,
    %eq3A = arith.constant 0 : i32
    %eq3A_13 = arith.cmpi eq, %arg0, %eq3A : i32
    %convert_element_type3A = arith.extui %eq3A_13 : i1 to i32
    %cond3A = arith.constant 0 : i32
    %cond3A_14 = arith.cmpi ne, %convert_element_type3A, %cond3A : i32
    scf.if %cond3A_14 {
      %min3A_297 = arith.constant 0 : i32
      %min3A_298 = arith.constant 995904 : i32
      %min3A_299 = arith.minsi %min3A_297, %min3A_298 : i32
      %dma_start3A = arith.constant 0 : i32
      %dma_start3A_300 = tpu.memref_slice %arg3[%min3A_299, %dma_start3A] : memref<1000000x64xf32, #tpu.memory_space<hbm>> -> memref<4096x64xf32, #tpu.memory_space<hbm>>
      tpu.enqueue_dma source(%dma_start3A_300 : memref<4096x64xf32, #tpu.memory_space<hbm>>) target(%arg6 : memref<4096x64xf32, #tpu.memory_space<vmem>>) target_semaphore(%arg14 : memref<!tpu.dma_semaphore, #tpu.memory_space<semaphore_mem>>)
      %min3A_301 = arith.constant 4096 : i32
      %min3A_302 = arith.constant 995904 : i32
      %min3A_303 = arith.minsi %min3A_301, %min3A_302 : i32
      %dma_start3A_304 = arith.constant 0 : i32
      %dma_start3A_305 = tpu.memref_slice %arg3[%min3A_303, %dma_start3A_304] : memref<1000000x64xf32, #tpu.memory_space<hbm>> -> memref<4096x64xf32, #tpu.memory_space<hbm>>
      tpu.enqueue_dma source(%dma_start3A_305 : memref<4096x64xf32, #tpu.memory_space<hbm>>) target(%arg7 : memref<4096x64xf32, #tpu.memory_space<vmem>>) target_semaphore(%arg15 : memref<!tpu.dma_semaphore, #tpu.memory_space<semaphore_mem>>)
      %min3A_306 = arith.constant 8192 : i32
      %min3A_307 = arith.constant 995904 : i32
      %min3A_308 = arith.minsi %min3A_306, %min3A_307 : i32
      %dma_start3A_309 = arith.constant 0 : i32
      %dma_start3A_310 = tpu.memref_slice %arg3[%min3A_308, %dma_start3A_309] : memref<1000000x64xf32, #tpu.memory_space<hbm>> -> memref<4096x64xf32, #tpu.memory_space<hbm>>
      tpu.enqueue_dma source(%dma_start3A_310 : memref<4096x64xf32, #tpu.memory_space<hbm>>) target(%arg8 : memref<4096x64xf32, #tpu.memory_space<vmem>>) target_semaphore(%arg16 : memref<!tpu.dma_semaphore, #tpu.memory_space<semaphore_mem>>)
      %min3A_311 = arith.constant 12288 : i32
      %min3A_312 = arith.constant 995904 : i32
      %min3A_313 = arith.minsi %min3A_311, %min3A_312 : i32
      %dma_start3A_314 = arith.constant 0 : i32
      %dma_start3A_315 = tpu.memref_slice %arg3[%min3A_313, %dma_start3A_314] : memref<1000000x64xf32, #tpu.memory_space<hbm>> -> memref<4096x64xf32, #tpu.memory_space<hbm>>
      tpu.enqueue_dma source(%dma_start3A_315 : memref<4096x64xf32, #tpu.memory_space<hbm>>) target(%arg9 : memref<4096x64xf32, #tpu.memory_space<vmem>>) target_semaphore(%arg17 : memref<!tpu.dma_semaphore, #tpu.memory_space<semaphore_mem>>)
      %min3A_316 = arith.constant 16384 : i32
      %min3A_317 = arith.constant 995904 : i32
      %min3A_318 = arith.minsi %min3A_316, %min3A_317 : i32
      %dma_start3A_319 = arith.constant 0 : i32
      %dma_start3A_320 = tpu.memref_slice %arg3[%min3A_318, %dma_start3A_319] : memref<1000000x64xf32, #tpu.memory_space<hbm>> -> memref<4096x64xf32, #tpu.memory_space<hbm>>
      tpu.enqueue_dma source(%dma_start3A_320 : memref<4096x64xf32, #tpu.memory_space<hbm>>) target(%arg10 : memref<4096x64xf32, #tpu.memory_space<vmem>>) target_semaphore(%arg18 : memref<!tpu.dma_semaphore, #tpu.memory_space<semaphore_mem>>)
      %min3A_321 = arith.constant 20480 : i32
      %min3A_322 = arith.constant 995904 : i32
      %min3A_323 = arith.minsi %min3A_321, %min3A_322 : i32
      %dma_start3A_324 = arith.constant 0 : i32
      %dma_start3A_325 = tpu.memref_slice %arg3[%min3A_323, %dma_start3A_324] : memref<1000000x64xf32, #tpu.memory_space<hbm>> -> memref<4096x64xf32, #tpu.memory_space<hbm>>
      tpu.enqueue_dma source(%dma_start3A_325 : memref<4096x64xf32, #tpu.memory_space<hbm>>) target(%arg11 : memref<4096x64xf32, #tpu.memory_space<vmem>>) target_semaphore(%arg19 : memref<!tpu.dma_semaphore, #tpu.memory_space<semaphore_mem>>)
      %min3A_326 = arith.constant 24576 : i32
      %min3A_327 = arith.constant 995904 : i32
      %min3A_328 = arith.minsi %min3A_326, %min3A_327 : i32
      %dma_start3A_329 = arith.constant 0 : i32
      %dma_start3A_330 = tpu.memref_slice %arg3[%min3A_328, %dma_start3A_329] : memref<1000000x64xf32, #tpu.memory_space<hbm>> -> memref<4096x64xf32, #tpu.memory_space<hbm>>
      tpu.enqueue_dma source(%dma_start3A_330 : memref<4096x64xf32, #tpu.memory_space<hbm>>) target(%arg12 : memref<4096x64xf32, #tpu.memory_space<vmem>>) target_semaphore(%arg20 : memref<!tpu.dma_semaphore, #tpu.memory_space<semaphore_mem>>)
      %min3A_331 = arith.constant 28672 : i32
      %min3A_332 = arith.constant 995904 : i32
      %min3A_333 = arith.minsi %min3A_331, %min3A_332 : i32
      %dma_start3A_334 = arith.constant 0 : i32
      %dma_start3A_335 = tpu.memref_slice %arg3[%min3A_333, %dma_start3A_334] : memref<1000000x64xf32, #tpu.memory_space<hbm>> -> memref<4096x64xf32, #tpu.memory_space<hbm>>
      tpu.enqueue_dma source(%dma_start3A_335 : memref<4096x64xf32, #tpu.memory_space<hbm>>) target(%arg13 : memref<4096x64xf32, #tpu.memory_space<vmem>>) target_semaphore(%arg21 : memref<!tpu.dma_semaphore, #tpu.memory_space<semaphore_mem>>)
    } else {
    }
    %mul3A = arith.constant 8 : i32
    %mul3A_15 = arith.muli %arg0, %mul3A : i32
    %add3A_16 = arith.constant 0 : i32
    %add3A_17 = arith.addi %mul3A_15, %add3A_16 : i32
    %mul3A_18 = arith.constant 4096 : i32
    %mul3A_19 = arith.muli %add3A_17, %mul3A_18 : i32
    %min3A = arith.constant 995904 : i32
    %min3A_20 = arith.minsi %mul3A_19, %min3A : i32
    %dma_wait3A = arith.constant 0 : i32
    %dma_wait3A_21 = tpu.memref_slice %arg3[%min3A_20, %dma_wait3A] : memref<1000000x64xf32, #tpu.memory_space<hbm>> -> memref<4096x64xf32, #tpu.memory_space<hbm>>
    tpu.wait_dma2 semaphore(%arg14 : memref<!tpu.dma_semaphore, #tpu.memory_space<semaphore_mem>>) src(%dma_wait3A_21 : memref<4096x64xf32, #tpu.memory_space<hbm>>) dst(%arg6 : memref<4096x64xf32, #tpu.memory_space<vmem>>)
    %get3A_22 = arith.constant 0 : index
    %get3A_23 = arith.constant 0 : index
    %get3A_24 = vector.load %arg6[%get3A_22, %get3A_23] : memref<4096x64xf32, #tpu.memory_space<vmem>>, vector<4096x64xf32>
    %mul3A_25 = vector.broadcast %get3A_1 : vector<1x64xf32> to vector<4096x64xf32>
    %mul3A_26 = arith.mulf %get3A_24, %mul3A_25 : vector<4096x64xf32>
    %reduce_sum3A = arith.constant dense<0.000000e+00> : vector<4096xf32>
    %reduce_sum3A_27 = vector.multi_reduction <add>, %mul3A_26, %reduce_sum3A [1] : vector<4096x64xf32> to vector<4096xf32>
    %iota3A = tpu.iota {dimensions = array<i32: 1>} : vector<1x4096xi32>
    %iota3A_28 = vector.shape_cast %iota3A : vector<1x4096xi32> to vector<4096xi32>
    %add3A_29 = vector.broadcast %min3A_20 : i32 to vector<4096xi32>
    %add3A_30 = arith.addi %iota3A_28, %add3A_29 : vector<4096xi32>
    %eq3A_31 = arith.constant 0 : i32
    %eq3A_32 = vector.broadcast %eq3A_31 : i32 to vector<4096xi32>
    %eq3A_33 = arith.cmpi eq, %add3A_30, %eq3A_32 : vector<4096xi32>
    %jit3A_34 = arith.constant 0.000000e+00 : f32
    %broadcast_in_dim3A_35 = vector.broadcast %jit3A_34 : f32 to vector<4096xf32>
    %select_n3A_36 = arith.select %eq3A_33, %broadcast_in_dim3A_35, %reduce_sum3A_27 : vector<4096xi1>, vector<4096xf32>
    %swap3A_37 = arith.constant 0 : index
    %swap3A_38 = vector.load %arg4[%swap3A_37] : memref<32768xf32, #tpu.memory_space<vmem>>, vector<4096xf32>
    tpu.vector_store %arg4[%swap3A_37], %select_n3A_36 {strides = array<i32>} : memref<32768xf32, #tpu.memory_space<vmem>>, vector<4096xf32>,
    %add3A_39 = arith.constant 8 : i32
    %add3A_40 = arith.addi %add3A_17, %add3A_39 : i32
    %lt3A = arith.constant 248 : i32
    %lt3A_41 = arith.cmpi slt, %add3A_40, %lt3A : i32
    %convert_element_type3A_42 = arith.extui %lt3A_41 : i1 to i32
    %cond3A_43 = arith.constant 0 : i32
    %cond3A_44 = arith.cmpi ne, %convert_element_type3A_42, %cond3A_43 : i32
    scf.if %cond3A_44 {
      %mul3A_297 = arith.constant 4096 : i32
      %mul3A_298 = arith.muli %add3A_40, %mul3A_297 : i32
      %min3A_299 = arith.constant 995904 : i32
      %min3A_300 = arith.minsi %mul3A_298, %min3A_299 : i32
      %dma_start3A = arith.constant 0 : i32
      %dma_start3A_301 = tpu.memref_slice %arg3[%min3A_300, %dma_start3A] : memref<1000000x64xf32, #tpu.memory_space<hbm>> -> memref<4096x64xf32, #tpu.memory_space<hbm>>
      tpu.enqueue_dma source(%dma_start3A_301 : memref<4096x64xf32, #tpu.memory_space<hbm>>) target(%arg6 : memref<4096x64xf32, #tpu.memory_space<vmem>>) target_semaphore(%arg14 : memref<!tpu.dma_semaphore, #tpu.memory_space<semaphore_mem>>)
    } else {
    }
    %mul3A_45 = arith.constant 8 : i32
    %mul3A_46 = arith.muli %arg0, %mul3A_45 : i32
    %add3A_47 = arith.constant 1 : i32
    %add3A_48 = arith.addi %mul3A_46, %add3A_47 : i32
    %mul3A_49 = arith.constant 4096 : i32
    %mul3A_50 = arith.muli %add3A_48, %mul3A_49 : i32
    %min3A_51 = arith.constant 995904 : i32
    %min3A_52 = arith.minsi %mul3A_50, %min3A_51 : i32
    %dma_wait3A_53 = arith.constant 0 : i32
    %dma_wait3A_54 = tpu.memref_slice %arg3[%min3A_52, %dma_wait3A_53] : memref<1000000x64xf32, #tpu.memory_space<hbm>> -> memref<4096x64xf32, #tpu.memory_space<hbm>>
    tpu.wait_dma2 semaphore(%arg15 : memref<!tpu.dma_semaphore, #tpu.memory_space<semaphore_mem>>) src(%dma_wait3A_54 : memref<4096x64xf32, #tpu.memory_space<hbm>>) dst(%arg7 : memref<4096x64xf32, #tpu.memory_space<vmem>>)
    %get3A_55 = arith.constant 0 : index
    %get3A_56 = arith.constant 0 : index
    %get3A_57 = vector.load %arg7[%get3A_55, %get3A_56] : memref<4096x64xf32, #tpu.memory_space<vmem>>, vector<4096x64xf32>
    %mul3A_58 = vector.broadcast %get3A_1 : vector<1x64xf32> to vector<4096x64xf32>
    %mul3A_59 = arith.mulf %get3A_57, %mul3A_58 : vector<4096x64xf32>
    %reduce_sum3A_60 = arith.constant dense<0.000000e+00> : vector<4096xf32>
    %reduce_sum3A_61 = vector.multi_reduction <add>, %mul3A_59, %reduce_sum3A_60 [1] : vector<4096x64xf32> to vector<4096xf32>
    %iota3A_62 = tpu.iota {dimensions = array<i32: 1>} : vector<1x4096xi32>
    %iota3A_63 = vector.shape_cast %iota3A_62 : vector<1x4096xi32> to vector<4096xi32>
    %add3A_64 = vector.broadcast %min3A_52 : i32 to vector<4096xi32>
    %add3A_65 = arith.addi %iota3A_63, %add3A_64 : vector<4096xi32>
    %eq3A_66 = arith.constant 0 : i32
    %eq3A_67 = vector.broadcast %eq3A_66 : i32 to vector<4096xi32>
    %eq3A_68 = arith.cmpi eq, %add3A_65, %eq3A_67 : vector<4096xi32>
    %jit3A_69 = arith.constant 0.000000e+00 : f32
    %broadcast_in_dim3A_70 = vector.broadcast %jit3A_69 : f32 to vector<4096xf32>
    %select_n3A_71 = arith.select %eq3A_68, %broadcast_in_dim3A_70, %reduce_sum3A_61 : vector<4096xi1>, vector<4096xf32>
    %swap3A_72 = arith.constant 4096 : index
    %swap3A_73 = vector.load %arg4[%swap3A_72] : memref<32768xf32, #tpu.memory_space<vmem>>, vector<4096xf32>
    tpu.vector_store %arg4[%swap3A_72], %select_n3A_71 {strides = array<i32>} : memref<32768xf32, #tpu.memory_space<vmem>>, vector<4096xf32>,
    %add3A_74 = arith.constant 8 : i32
    %add3A_75 = arith.addi %add3A_48, %add3A_74 : i32
    %lt3A_76 = arith.constant 248 : i32
    %lt3A_77 = arith.cmpi slt, %add3A_75, %lt3A_76 : i32
    %convert_element_type3A_78 = arith.extui %lt3A_77 : i1 to i32
    %cond3A_79 = arith.constant 0 : i32
    %cond3A_80 = arith.cmpi ne, %convert_element_type3A_78, %cond3A_79 : i32
    scf.if %cond3A_80 {
      %mul3A_297 = arith.constant 4096 : i32
      %mul3A_298 = arith.muli %add3A_75, %mul3A_297 : i32
      %min3A_299 = arith.constant 995904 : i32
      %min3A_300 = arith.minsi %mul3A_298, %min3A_299 : i32
      %dma_start3A = arith.constant 0 : i32
      %dma_start3A_301 = tpu.memref_slice %arg3[%min3A_300, %dma_start3A] : memref<1000000x64xf32, #tpu.memory_space<hbm>> -> memref<4096x64xf32, #tpu.memory_space<hbm>>
      tpu.enqueue_dma source(%dma_start3A_301 : memref<4096x64xf32, #tpu.memory_space<hbm>>) target(%arg7 : memref<4096x64xf32, #tpu.memory_space<vmem>>) target_semaphore(%arg15 : memref<!tpu.dma_semaphore, #tpu.memory_space<semaphore_mem>>)
    } else {
    }
    %mul3A_81 = arith.constant 8 : i32
    %mul3A_82 = arith.muli %arg0, %mul3A_81 : i32
    %add3A_83 = arith.constant 2 : i32
    %add3A_84 = arith.addi %mul3A_82, %add3A_83 : i32
    %mul3A_85 = arith.constant 4096 : i32
    %mul3A_86 = arith.muli %add3A_84, %mul3A_85 : i32
    %min3A_87 = arith.constant 995904 : i32
    %min3A_88 = arith.minsi %mul3A_86, %min3A_87 : i32
    %dma_wait3A_89 = arith.constant 0 : i32
    %dma_wait3A_90 = tpu.memref_slice %arg3[%min3A_88, %dma_wait3A_89] : memref<1000000x64xf32, #tpu.memory_space<hbm>> -> memref<4096x64xf32, #tpu.memory_space<hbm>>
    tpu.wait_dma2 semaphore(%arg16 : memref<!tpu.dma_semaphore, #tpu.memory_space<semaphore_mem>>) src(%dma_wait3A_90 : memref<4096x64xf32, #tpu.memory_space<hbm>>) dst(%arg8 : memref<4096x64xf32, #tpu.memory_space<vmem>>)
    %get3A_91 = arith.constant 0 : index
    %get3A_92 = arith.constant 0 : index
    %get3A_93 = vector.load %arg8[%get3A_91, %get3A_92] : memref<4096x64xf32, #tpu.memory_space<vmem>>, vector<4096x64xf32>
    %mul3A_94 = vector.broadcast %get3A_1 : vector<1x64xf32> to vector<4096x64xf32>
    %mul3A_95 = arith.mulf %get3A_93, %mul3A_94 : vector<4096x64xf32>
    %reduce_sum3A_96 = arith.constant dense<0.000000e+00> : vector<4096xf32>
    %reduce_sum3A_97 = vector.multi_reduction <add>, %mul3A_95, %reduce_sum3A_96 [1] : vector<4096x64xf32> to vector<4096xf32>
    %iota3A_98 = tpu.iota {dimensions = array<i32: 1>} : vector<1x4096xi32>
    %iota3A_99 = vector.shape_cast %iota3A_98 : vector<1x4096xi32> to vector<4096xi32>
    %add3A_100 = vector.broadcast %min3A_88 : i32 to vector<4096xi32>
    %add3A_101 = arith.addi %iota3A_99, %add3A_100 : vector<4096xi32>
    %eq3A_102 = arith.constant 0 : i32
    %eq3A_103 = vector.broadcast %eq3A_102 : i32 to vector<4096xi32>
    %eq3A_104 = arith.cmpi eq, %add3A_101, %eq3A_103 : vector<4096xi32>
    %jit3A_105 = arith.constant 0.000000e+00 : f32
    %broadcast_in_dim3A_106 = vector.broadcast %jit3A_105 : f32 to vector<4096xf32>
    %select_n3A_107 = arith.select %eq3A_104, %broadcast_in_dim3A_106, %reduce_sum3A_97 : vector<4096xi1>, vector<4096xf32>
    %swap3A_108 = arith.constant 8192 : index
    %swap3A_109 = vector.load %arg4[%swap3A_108] : memref<32768xf32, #tpu.memory_space<vmem>>, vector<4096xf32>
    tpu.vector_store %arg4[%swap3A_108], %select_n3A_107 {strides = array<i32>} : memref<32768xf32, #tpu.memory_space<vmem>>, vector<4096xf32>,
    %add3A_110 = arith.constant 8 : i32
    %add3A_111 = arith.addi %add3A_84, %add3A_110 : i32
    %lt3A_112 = arith.constant 248 : i32
    %lt3A_113 = arith.cmpi slt, %add3A_111, %lt3A_112 : i32
    %convert_element_type3A_114 = arith.extui %lt3A_113 : i1 to i32
    %cond3A_115 = arith.constant 0 : i32
    %cond3A_116 = arith.cmpi ne, %convert_element_type3A_114, %cond3A_115 : i32
    scf.if %cond3A_116 {
      %mul3A_297 = arith.constant 4096 : i32
      %mul3A_298 = arith.muli %add3A_111, %mul3A_297 : i32
      %min3A_299 = arith.constant 995904 : i32
      %min3A_300 = arith.minsi %mul3A_298, %min3A_299 : i32
      %dma_start3A = arith.constant 0 : i32
      %dma_start3A_301 = tpu.memref_slice %arg3[%min3A_300, %dma_start3A] : memref<1000000x64xf32, #tpu.memory_space<hbm>> -> memref<4096x64xf32, #tpu.memory_space<hbm>>
      tpu.enqueue_dma source(%dma_start3A_301 : memref<4096x64xf32, #tpu.memory_space<hbm>>) target(%arg8 : memref<4096x64xf32, #tpu.memory_space<vmem>>) target_semaphore(%arg16 : memref<!tpu.dma_semaphore, #tpu.memory_space<semaphore_mem>>)
    } else {
    }
    %mul3A_117 = arith.constant 8 : i32
    %mul3A_118 = arith.muli %arg0, %mul3A_117 : i32
    %add3A_119 = arith.constant 3 : i32
    %add3A_120 = arith.addi %mul3A_118, %add3A_119 : i32
    %mul3A_121 = arith.constant 4096 : i32
    %mul3A_122 = arith.muli %add3A_120, %mul3A_121 : i32
    %min3A_123 = arith.constant 995904 : i32
    %min3A_124 = arith.minsi %mul3A_122, %min3A_123 : i32
    %dma_wait3A_125 = arith.constant 0 : i32
    %dma_wait3A_126 = tpu.memref_slice %arg3[%min3A_124, %dma_wait3A_125] : memref<1000000x64xf32, #tpu.memory_space<hbm>> -> memref<4096x64xf32, #tpu.memory_space<hbm>>
    tpu.wait_dma2 semaphore(%arg17 : memref<!tpu.dma_semaphore, #tpu.memory_space<semaphore_mem>>) src(%dma_wait3A_126 : memref<4096x64xf32, #tpu.memory_space<hbm>>) dst(%arg9 : memref<4096x64xf32, #tpu.memory_space<vmem>>)
    %get3A_127 = arith.constant 0 : index
    %get3A_128 = arith.constant 0 : index
    %get3A_129 = vector.load %arg9[%get3A_127, %get3A_128] : memref<4096x64xf32, #tpu.memory_space<vmem>>, vector<4096x64xf32>
    %mul3A_130 = vector.broadcast %get3A_1 : vector<1x64xf32> to vector<4096x64xf32>
    %mul3A_131 = arith.mulf %get3A_129, %mul3A_130 : vector<4096x64xf32>
    %reduce_sum3A_132 = arith.constant dense<0.000000e+00> : vector<4096xf32>
    %reduce_sum3A_133 = vector.multi_reduction <add>, %mul3A_131, %reduce_sum3A_132 [1] : vector<4096x64xf32> to vector<4096xf32>
    %iota3A_134 = tpu.iota {dimensions = array<i32: 1>} : vector<1x4096xi32>
    %iota3A_135 = vector.shape_cast %iota3A_134 : vector<1x4096xi32> to vector<4096xi32>
    %add3A_136 = vector.broadcast %min3A_124 : i32 to vector<4096xi32>
    %add3A_137 = arith.addi %iota3A_135, %add3A_136 : vector<4096xi32>
    %eq3A_138 = arith.constant 0 : i32
    %eq3A_139 = vector.broadcast %eq3A_138 : i32 to vector<4096xi32>
    %eq3A_140 = arith.cmpi eq, %add3A_137, %eq3A_139 : vector<4096xi32>
    %jit3A_141 = arith.constant 0.000000e+00 : f32
    %broadcast_in_dim3A_142 = vector.broadcast %jit3A_141 : f32 to vector<4096xf32>
    %select_n3A_143 = arith.select %eq3A_140, %broadcast_in_dim3A_142, %reduce_sum3A_133 : vector<4096xi1>, vector<4096xf32>
    %swap3A_144 = arith.constant 12288 : index
    %swap3A_145 = vector.load %arg4[%swap3A_144] : memref<32768xf32, #tpu.memory_space<vmem>>, vector<4096xf32>
    tpu.vector_store %arg4[%swap3A_144], %select_n3A_143 {strides = array<i32>} : memref<32768xf32, #tpu.memory_space<vmem>>, vector<4096xf32>,
    %add3A_146 = arith.constant 8 : i32
    %add3A_147 = arith.addi %add3A_120, %add3A_146 : i32
    %lt3A_148 = arith.constant 248 : i32
    %lt3A_149 = arith.cmpi slt, %add3A_147, %lt3A_148 : i32
    %convert_element_type3A_150 = arith.extui %lt3A_149 : i1 to i32
    %cond3A_151 = arith.constant 0 : i32
    %cond3A_152 = arith.cmpi ne, %convert_element_type3A_150, %cond3A_151 : i32
    scf.if %cond3A_152 {
      %mul3A_297 = arith.constant 4096 : i32
      %mul3A_298 = arith.muli %add3A_147, %mul3A_297 : i32
      %min3A_299 = arith.constant 995904 : i32
      %min3A_300 = arith.minsi %mul3A_298, %min3A_299 : i32
      %dma_start3A = arith.constant 0 : i32
      %dma_start3A_301 = tpu.memref_slice %arg3[%min3A_300, %dma_start3A] : memref<1000000x64xf32, #tpu.memory_space<hbm>> -> memref<4096x64xf32, #tpu.memory_space<hbm>>
      tpu.enqueue_dma source(%dma_start3A_301 : memref<4096x64xf32, #tpu.memory_space<hbm>>) target(%arg9 : memref<4096x64xf32, #tpu.memory_space<vmem>>) target_semaphore(%arg17 : memref<!tpu.dma_semaphore, #tpu.memory_space<semaphore_mem>>)
    } else {
    }
    %mul3A_153 = arith.constant 8 : i32
    %mul3A_154 = arith.muli %arg0, %mul3A_153 : i32
    %add3A_155 = arith.constant 4 : i32
    %add3A_156 = arith.addi %mul3A_154, %add3A_155 : i32
    %mul3A_157 = arith.constant 4096 : i32
    %mul3A_158 = arith.muli %add3A_156, %mul3A_157 : i32
    %min3A_159 = arith.constant 995904 : i32
    %min3A_160 = arith.minsi %mul3A_158, %min3A_159 : i32
    %dma_wait3A_161 = arith.constant 0 : i32
    %dma_wait3A_162 = tpu.memref_slice %arg3[%min3A_160, %dma_wait3A_161] : memref<1000000x64xf32, #tpu.memory_space<hbm>> -> memref<4096x64xf32, #tpu.memory_space<hbm>>
    tpu.wait_dma2 semaphore(%arg18 : memref<!tpu.dma_semaphore, #tpu.memory_space<semaphore_mem>>) src(%dma_wait3A_162 : memref<4096x64xf32, #tpu.memory_space<hbm>>) dst(%arg10 : memref<4096x64xf32, #tpu.memory_space<vmem>>)
    %get3A_163 = arith.constant 0 : index
    %get3A_164 = arith.constant 0 : index
    %get3A_165 = vector.load %arg10[%get3A_163, %get3A_164] : memref<4096x64xf32, #tpu.memory_space<vmem>>, vector<4096x64xf32>
    %mul3A_166 = vector.broadcast %get3A_1 : vector<1x64xf32> to vector<4096x64xf32>
    %mul3A_167 = arith.mulf %get3A_165, %mul3A_166 : vector<4096x64xf32>
    %reduce_sum3A_168 = arith.constant dense<0.000000e+00> : vector<4096xf32>
    %reduce_sum3A_169 = vector.multi_reduction <add>, %mul3A_167, %reduce_sum3A_168 [1] : vector<4096x64xf32> to vector<4096xf32>
    %iota3A_170 = tpu.iota {dimensions = array<i32: 1>} : vector<1x4096xi32>
    %iota3A_171 = vector.shape_cast %iota3A_170 : vector<1x4096xi32> to vector<4096xi32>
    %add3A_172 = vector.broadcast %min3A_160 : i32 to vector<4096xi32>
    %add3A_173 = arith.addi %iota3A_171, %add3A_172 : vector<4096xi32>
    %eq3A_174 = arith.constant 0 : i32
    %eq3A_175 = vector.broadcast %eq3A_174 : i32 to vector<4096xi32>
    %eq3A_176 = arith.cmpi eq, %add3A_173, %eq3A_175 : vector<4096xi32>
    %jit3A_177 = arith.constant 0.000000e+00 : f32
    %broadcast_in_dim3A_178 = vector.broadcast %jit3A_177 : f32 to vector<4096xf32>
    %select_n3A_179 = arith.select %eq3A_176, %broadcast_in_dim3A_178, %reduce_sum3A_169 : vector<4096xi1>, vector<4096xf32>
    %swap3A_180 = arith.constant 16384 : index
    %swap3A_181 = vector.load %arg4[%swap3A_180] : memref<32768xf32, #tpu.memory_space<vmem>>, vector<4096xf32>
    tpu.vector_store %arg4[%swap3A_180], %select_n3A_179 {strides = array<i32>} : memref<32768xf32, #tpu.memory_space<vmem>>, vector<4096xf32>,
    %add3A_182 = arith.constant 8 : i32
    %add3A_183 = arith.addi %add3A_156, %add3A_182 : i32
    %lt3A_184 = arith.constant 248 : i32
    %lt3A_185 = arith.cmpi slt, %add3A_183, %lt3A_184 : i32
    %convert_element_type3A_186 = arith.extui %lt3A_185 : i1 to i32
    %cond3A_187 = arith.constant 0 : i32
    %cond3A_188 = arith.cmpi ne, %convert_element_type3A_186, %cond3A_187 : i32
    scf.if %cond3A_188 {
      %mul3A_297 = arith.constant 4096 : i32
      %mul3A_298 = arith.muli %add3A_183, %mul3A_297 : i32
      %min3A_299 = arith.constant 995904 : i32
      %min3A_300 = arith.minsi %mul3A_298, %min3A_299 : i32
      %dma_start3A = arith.constant 0 : i32
      %dma_start3A_301 = tpu.memref_slice %arg3[%min3A_300, %dma_start3A] : memref<1000000x64xf32, #tpu.memory_space<hbm>> -> memref<4096x64xf32, #tpu.memory_space<hbm>>
      tpu.enqueue_dma source(%dma_start3A_301 : memref<4096x64xf32, #tpu.memory_space<hbm>>) target(%arg10 : memref<4096x64xf32, #tpu.memory_space<vmem>>) target_semaphore(%arg18 : memref<!tpu.dma_semaphore, #tpu.memory_space<semaphore_mem>>)
    } else {
    }
    %mul3A_189 = arith.constant 8 : i32
    %mul3A_190 = arith.muli %arg0, %mul3A_189 : i32
    %add3A_191 = arith.constant 5 : i32
    %add3A_192 = arith.addi %mul3A_190, %add3A_191 : i32
    %mul3A_193 = arith.constant 4096 : i32
    %mul3A_194 = arith.muli %add3A_192, %mul3A_193 : i32
    %min3A_195 = arith.constant 995904 : i32
    %min3A_196 = arith.minsi %mul3A_194, %min3A_195 : i32
    %dma_wait3A_197 = arith.constant 0 : i32
    %dma_wait3A_198 = tpu.memref_slice %arg3[%min3A_196, %dma_wait3A_197] : memref<1000000x64xf32, #tpu.memory_space<hbm>> -> memref<4096x64xf32, #tpu.memory_space<hbm>>
    tpu.wait_dma2 semaphore(%arg19 : memref<!tpu.dma_semaphore, #tpu.memory_space<semaphore_mem>>) src(%dma_wait3A_198 : memref<4096x64xf32, #tpu.memory_space<hbm>>) dst(%arg11 : memref<4096x64xf32, #tpu.memory_space<vmem>>)
    %get3A_199 = arith.constant 0 : index
    %get3A_200 = arith.constant 0 : index
    %get3A_201 = vector.load %arg11[%get3A_199, %get3A_200] : memref<4096x64xf32, #tpu.memory_space<vmem>>, vector<4096x64xf32>
    %mul3A_202 = vector.broadcast %get3A_1 : vector<1x64xf32> to vector<4096x64xf32>
    %mul3A_203 = arith.mulf %get3A_201, %mul3A_202 : vector<4096x64xf32>
    %reduce_sum3A_204 = arith.constant dense<0.000000e+00> : vector<4096xf32>
    %reduce_sum3A_205 = vector.multi_reduction <add>, %mul3A_203, %reduce_sum3A_204 [1] : vector<4096x64xf32> to vector<4096xf32>
    %iota3A_206 = tpu.iota {dimensions = array<i32: 1>} : vector<1x4096xi32>
    %iota3A_207 = vector.shape_cast %iota3A_206 : vector<1x4096xi32> to vector<4096xi32>
    %add3A_208 = vector.broadcast %min3A_196 : i32 to vector<4096xi32>
    %add3A_209 = arith.addi %iota3A_207, %add3A_208 : vector<4096xi32>
    %eq3A_210 = arith.constant 0 : i32
    %eq3A_211 = vector.broadcast %eq3A_210 : i32 to vector<4096xi32>
    %eq3A_212 = arith.cmpi eq, %add3A_209, %eq3A_211 : vector<4096xi32>
    %jit3A_213 = arith.constant 0.000000e+00 : f32
    %broadcast_in_dim3A_214 = vector.broadcast %jit3A_213 : f32 to vector<4096xf32>
    %select_n3A_215 = arith.select %eq3A_212, %broadcast_in_dim3A_214, %reduce_sum3A_205 : vector<4096xi1>, vector<4096xf32>
    %swap3A_216 = arith.constant 20480 : index
    %swap3A_217 = vector.load %arg4[%swap3A_216] : memref<32768xf32, #tpu.memory_space<vmem>>, vector<4096xf32>
    tpu.vector_store %arg4[%swap3A_216], %select_n3A_215 {strides = array<i32>} : memref<32768xf32, #tpu.memory_space<vmem>>, vector<4096xf32>,
    %add3A_218 = arith.constant 8 : i32
    %add3A_219 = arith.addi %add3A_192, %add3A_218 : i32
    %lt3A_220 = arith.constant 248 : i32
    %lt3A_221 = arith.cmpi slt, %add3A_219, %lt3A_220 : i32
    %convert_element_type3A_222 = arith.extui %lt3A_221 : i1 to i32
    %cond3A_223 = arith.constant 0 : i32
    %cond3A_224 = arith.cmpi ne, %convert_element_type3A_222, %cond3A_223 : i32
    scf.if %cond3A_224 {
      %mul3A_297 = arith.constant 4096 : i32
      %mul3A_298 = arith.muli %add3A_219, %mul3A_297 : i32
      %min3A_299 = arith.constant 995904 : i32
      %min3A_300 = arith.minsi %mul3A_298, %min3A_299 : i32
      %dma_start3A = arith.constant 0 : i32
      %dma_start3A_301 = tpu.memref_slice %arg3[%min3A_300, %dma_start3A] : memref<1000000x64xf32, #tpu.memory_space<hbm>> -> memref<4096x64xf32, #tpu.memory_space<hbm>>
      tpu.enqueue_dma source(%dma_start3A_301 : memref<4096x64xf32, #tpu.memory_space<hbm>>) target(%arg11 : memref<4096x64xf32, #tpu.memory_space<vmem>>) target_semaphore(%arg19 : memref<!tpu.dma_semaphore, #tpu.memory_space<semaphore_mem>>)
    } else {
    }
    %mul3A_225 = arith.constant 8 : i32
    %mul3A_226 = arith.muli %arg0, %mul3A_225 : i32
    %add3A_227 = arith.constant 6 : i32
    %add3A_228 = arith.addi %mul3A_226, %add3A_227 : i32
    %mul3A_229 = arith.constant 4096 : i32
    %mul3A_230 = arith.muli %add3A_228, %mul3A_229 : i32
    %min3A_231 = arith.constant 995904 : i32
    %min3A_232 = arith.minsi %mul3A_230, %min3A_231 : i32
    %dma_wait3A_233 = arith.constant 0 : i32
    %dma_wait3A_234 = tpu.memref_slice %arg3[%min3A_232, %dma_wait3A_233] : memref<1000000x64xf32, #tpu.memory_space<hbm>> -> memref<4096x64xf32, #tpu.memory_space<hbm>>
    tpu.wait_dma2 semaphore(%arg20 : memref<!tpu.dma_semaphore, #tpu.memory_space<semaphore_mem>>) src(%dma_wait3A_234 : memref<4096x64xf32, #tpu.memory_space<hbm>>) dst(%arg12 : memref<4096x64xf32, #tpu.memory_space<vmem>>)
    %get3A_235 = arith.constant 0 : index
    %get3A_236 = arith.constant 0 : index
    %get3A_237 = vector.load %arg12[%get3A_235, %get3A_236] : memref<4096x64xf32, #tpu.memory_space<vmem>>, vector<4096x64xf32>
    %mul3A_238 = vector.broadcast %get3A_1 : vector<1x64xf32> to vector<4096x64xf32>
    %mul3A_239 = arith.mulf %get3A_237, %mul3A_238 : vector<4096x64xf32>
    %reduce_sum3A_240 = arith.constant dense<0.000000e+00> : vector<4096xf32>
    %reduce_sum3A_241 = vector.multi_reduction <add>, %mul3A_239, %reduce_sum3A_240 [1] : vector<4096x64xf32> to vector<4096xf32>
    %iota3A_242 = tpu.iota {dimensions = array<i32: 1>} : vector<1x4096xi32>
    %iota3A_243 = vector.shape_cast %iota3A_242 : vector<1x4096xi32> to vector<4096xi32>
    %add3A_244 = vector.broadcast %min3A_232 : i32 to vector<4096xi32>
    %add3A_245 = arith.addi %iota3A_243, %add3A_244 : vector<4096xi32>
    %eq3A_246 = arith.constant 0 : i32
    %eq3A_247 = vector.broadcast %eq3A_246 : i32 to vector<4096xi32>
    %eq3A_248 = arith.cmpi eq, %add3A_245, %eq3A_247 : vector<4096xi32>
    %jit3A_249 = arith.constant 0.000000e+00 : f32
    %broadcast_in_dim3A_250 = vector.broadcast %jit3A_249 : f32 to vector<4096xf32>
    %select_n3A_251 = arith.select %eq3A_248, %broadcast_in_dim3A_250, %reduce_sum3A_241 : vector<4096xi1>, vector<4096xf32>
    %swap3A_252 = arith.constant 24576 : index
    %swap3A_253 = vector.load %arg4[%swap3A_252] : memref<32768xf32, #tpu.memory_space<vmem>>, vector<4096xf32>
    tpu.vector_store %arg4[%swap3A_252], %select_n3A_251 {strides = array<i32>} : memref<32768xf32, #tpu.memory_space<vmem>>, vector<4096xf32>,
    %add3A_254 = arith.constant 8 : i32
    %add3A_255 = arith.addi %add3A_228, %add3A_254 : i32
    %lt3A_256 = arith.constant 248 : i32
    %lt3A_257 = arith.cmpi slt, %add3A_255, %lt3A_256 : i32
    %convert_element_type3A_258 = arith.extui %lt3A_257 : i1 to i32
    %cond3A_259 = arith.constant 0 : i32
    %cond3A_260 = arith.cmpi ne, %convert_element_type3A_258, %cond3A_259 : i32
    scf.if %cond3A_260 {
      %mul3A_297 = arith.constant 4096 : i32
      %mul3A_298 = arith.muli %add3A_255, %mul3A_297 : i32
      %min3A_299 = arith.constant 995904 : i32
      %min3A_300 = arith.minsi %mul3A_298, %min3A_299 : i32
      %dma_start3A = arith.constant 0 : i32
      %dma_start3A_301 = tpu.memref_slice %arg3[%min3A_300, %dma_start3A] : memref<1000000x64xf32, #tpu.memory_space<hbm>> -> memref<4096x64xf32, #tpu.memory_space<hbm>>
      tpu.enqueue_dma source(%dma_start3A_301 : memref<4096x64xf32, #tpu.memory_space<hbm>>) target(%arg12 : memref<4096x64xf32, #tpu.memory_space<vmem>>) target_semaphore(%arg20 : memref<!tpu.dma_semaphore, #tpu.memory_space<semaphore_mem>>)
    } else {
    }
    %mul3A_261 = arith.constant 8 : i32
    %mul3A_262 = arith.muli %arg0, %mul3A_261 : i32
    %add3A_263 = arith.constant 7 : i32
    %add3A_264 = arith.addi %mul3A_262, %add3A_263 : i32
    %mul3A_265 = arith.constant 4096 : i32
    %mul3A_266 = arith.muli %add3A_264, %mul3A_265 : i32
    %min3A_267 = arith.constant 995904 : i32
    %min3A_268 = arith.minsi %mul3A_266, %min3A_267 : i32
    %dma_wait3A_269 = arith.constant 0 : i32
    %dma_wait3A_270 = tpu.memref_slice %arg3[%min3A_268, %dma_wait3A_269] : memref<1000000x64xf32, #tpu.memory_space<hbm>> -> memref<4096x64xf32, #tpu.memory_space<hbm>>
    tpu.wait_dma2 semaphore(%arg21 : memref<!tpu.dma_semaphore, #tpu.memory_space<semaphore_mem>>) src(%dma_wait3A_270 : memref<4096x64xf32, #tpu.memory_space<hbm>>) dst(%arg13 : memref<4096x64xf32, #tpu.memory_space<vmem>>)
    %get3A_271 = arith.constant 0 : index
    %get3A_272 = arith.constant 0 : index
    %get3A_273 = vector.load %arg13[%get3A_271, %get3A_272] : memref<4096x64xf32, #tpu.memory_space<vmem>>, vector<4096x64xf32>
    %mul3A_274 = vector.broadcast %get3A_1 : vector<1x64xf32> to vector<4096x64xf32>
    %mul3A_275 = arith.mulf %get3A_273, %mul3A_274 : vector<4096x64xf32>
    %reduce_sum3A_276 = arith.constant dense<0.000000e+00> : vector<4096xf32>
    %reduce_sum3A_277 = vector.multi_reduction <add>, %mul3A_275, %reduce_sum3A_276 [1] : vector<4096x64xf32> to vector<4096xf32>
    %iota3A_278 = tpu.iota {dimensions = array<i32: 1>} : vector<1x4096xi32>
    %iota3A_279 = vector.shape_cast %iota3A_278 : vector<1x4096xi32> to vector<4096xi32>
    %add3A_280 = vector.broadcast %min3A_268 : i32 to vector<4096xi32>
    %add3A_281 = arith.addi %iota3A_279, %add3A_280 : vector<4096xi32>
    %eq3A_282 = arith.constant 0 : i32
    %eq3A_283 = vector.broadcast %eq3A_282 : i32 to vector<4096xi32>
    %eq3A_284 = arith.cmpi eq, %add3A_281, %eq3A_283 : vector<4096xi32>
    %jit3A_285 = arith.constant 0.000000e+00 : f32
    %broadcast_in_dim3A_286 = vector.broadcast %jit3A_285 : f32 to vector<4096xf32>
    %select_n3A_287 = arith.select %eq3A_284, %broadcast_in_dim3A_286, %reduce_sum3A_277 : vector<4096xi1>, vector<4096xf32>
    %swap3A_288 = arith.constant 28672 : index
    %swap3A_289 = vector.load %arg4[%swap3A_288] : memref<32768xf32, #tpu.memory_space<vmem>>, vector<4096xf32>
    tpu.vector_store %arg4[%swap3A_288], %select_n3A_287 {strides = array<i32>} : memref<32768xf32, #tpu.memory_space<vmem>>, vector<4096xf32>,
    %add3A_290 = arith.constant 8 : i32
    %add3A_291 = arith.addi %add3A_264, %add3A_290 : i32
    %lt3A_292 = arith.constant 248 : i32
    %lt3A_293 = arith.cmpi slt, %add3A_291, %lt3A_292 : i32
    %convert_element_type3A_294 = arith.extui %lt3A_293 : i1 to i32
    %cond3A_295 = arith.constant 0 : i32
    %cond3A_296 = arith.cmpi ne, %convert_element_type3A_294, %cond3A_295 : i32
    scf.if %cond3A_296 {
      %mul3A_297 = arith.constant 4096 : i32
      %mul3A_298 = arith.muli %add3A_291, %mul3A_297 : i32
      %min3A_299 = arith.constant 995904 : i32
      %min3A_300 = arith.minsi %mul3A_298, %min3A_299 : i32
      %dma_start3A = arith.constant 0 : i32
      %dma_start3A_301 = tpu.memref_slice %arg3[%min3A_300, %dma_start3A] : memref<1000000x64xf32, #tpu.memory_space<hbm>> -> memref<4096x64xf32, #tpu.memory_space<hbm>>
      tpu.enqueue_dma source(%dma_start3A_301 : memref<4096x64xf32, #tpu.memory_space<hbm>>) target(%arg13 : memref<4096x64xf32, #tpu.memory_space<vmem>>) target_semaphore(%arg21 : memref<!tpu.dma_semaphore, #tpu.memory_space<semaphore_mem>>)
    } else {
    }
    return
  }
  func.func @transform_0(%arg0: i32) -> (i32, i32) {
    %c0_i32 = arith.constant 0 : i32
    %c0_i32_0 = arith.constant 0 : i32
    %c0_i32_1 = arith.constant 0 : i32
    return %c0_i32, %c0_i32_0 : i32, i32
  }
  func.func @transform_1(%arg0: i32) -> (i32, i32) {
    %min3A = arith.constant 15 : i32
    %min3A_0 = arith.minsi %arg0, %min3A : i32
    %c0_i32 = arith.constant 0 : i32
    %c0_i32_1 = arith.constant 0 : i32
    return %min3A_0, %c0_i32 : i32, i32
  }
  func.func @transform_3(%arg0: i32) -> i32 {
    %c0_i32 = arith.constant 0 : i32
    return %arg0 : i32
  }
  func.func @transform_4(%arg0: i32) -> (i32, i32) {
    %min3A = arith.constant 15 : i32
    %min3A_0 = arith.minsi %arg0, %min3A : i32
    %c0_i32 = arith.constant 0 : i32
    %c0_i32_1 = arith.constant 0 : i32
    return %min3A_0, %c0_i32 : i32, i32
  }
}

</mosaic_0001>

<sc_bundles>
// kernel: kernel.4.cloned.1.call-start
scs
__scs_entry_jumppad:
0x0: {  	(pc) =	sbr.rel $0x88, $3  }
0x1: {  	(tag) =	ssettag $0x0;
	lr =	simm.s32 $0x1  }
0x2: {  	[smem:$0x3F9D] =	sst lr;
	_ =	strace $0xD0000000  }
0x3: {  	_ = 	snop  }
0x4: {  	_ = 	snop  }
0x5: {  	_ = 	snop  }
0x6: {  	_ = 	snop  }
0x7: {  	_ = 	snop  }
__scs_overlays_trampoline_lowered:
0x8: {  	[smem:$0x3FAC] =	sst s0  }
0x9: {  	[smem:$0x3FAD] =	sst s1  }
0xa: {  	[smem:$0x3FAE] =	sst s2  }
0xb: {  	[smem:$0x3FAF] =	sst s3  }
0xc: {  	[smem:$0x3FB0] =	sst s4  }
0xd: {  	[smem:$0x3FB1] =	sst s5  }
0xe: {  	[smem:$0x3FB2] =	sst s6  }
0xf: {  	[smem:$0x3FB3] =	sst s7  }
0x10: {  	[smem:$0x3FB4] =	sst s8  }
0x11: {  	[smem:$0x3FB5] =	sst s9;
	s0 =	simm.s32 @!p0 $0x0  }
0x12: {  	s1 =	sld [smem:$0x3F9B];
	s0 =	simm.s32 @p0 $0x1  }
0x13: {  	[smem:$0x3FB6] =	sst s0;
	s0 =	simm.s32 @!p1 $0x0  }
0x14: {  	s2 =	sld [smem:$0x3F9A];
	s0 =	simm.s32 @p1 $0x1  }
0x15: {  	[smem:$0x3FB7] =	sst s0;
	s0 =	simm.s32 @!p2 $0x0  }
0x16: {  	s3 =	sld [smem:$0x3FDB];
	s0 =	simm.s32 @p2 $0x1  }
0x17: {  	s4 =	simm.s32 $0x1BF5;
	[smem:$0x3FB9] =	sst s0  }
0x18: {  	s0 =	sld [smem:$0x3F9C];
	_ =	swait.ge [sflag:s4], $0x0  }
0x19: {  	s7 =	sld [smem:$0x3F9D]  }
0x1a: {  	s8 =	sadd.s32 $0xFFFFE003, lr  }
0x1b: {  	s9 =	sadd.s32 $0xFFFFFEF7, lr;
	s5 =	simm.s32 $0xFFFFFFFF;
	p2 =	slt.u32 s8, $0xFFFFF086  }
0x1c: {  	p1 =	slt.u32 s9, $0xF7A;
	s5 =	simm.s32 @!p2 $0x0  }
0x1d: {  	s5 =	simm.s32 @p1 $0x1;
	p0 =	seq.s32 s7, s2  }
0x1e: {  	s7 =	smul.u32 @!p0 $0xF7A, s2;
	p2 =	seq.s32 @!p0 s5, $0x0  }
0x1f: {  	s9 =	smul.u32 $0xF7A, s1;
	s8 =	simm.s32 @!p0 $0x1BF5;
	p2 =	por !p2, p0  }
0x20: {  	[sflag:s8] =	ssyncset.s32 @!p0 $0xFFFFF086;
	s6 =	sadd.s32 @!p0 s3, s7;
	s7 =	simm.s32 @!p0 $0x108  }
0x21: {  	s3 =	sadd.s32 s3, s9;
	s6 =	sadd.s32 @!p0 $0x88, s6;
	s7 =	simm.s32 @p2 $0x1082  }
0x22: {  	[simem:s7], [sflag:s8] =	dma.local @!p0 [hbm:s6], $0xF7A  }
0x23: {  	s9 =	sor.u32 $0xD0000000, s2;
	s6 =	simm.s32 $0x108;
	_ =	swait.ge @!p0 [sflag:s8], $0x0  }
0x24: {  	s3 =	sadd.s32 $0x88, s3;
	s6 =	simm.s32 @!p1 $0x1082;
	[sflag:s4] =	ssyncset.s32 $0xFFFFF086  }
0x25: {  	[simem:s6], [sflag:s4] =	dma.local [hbm:s3], $0xF7A  }
0x26: {  	[smem:$0x3F9D] =	sst s1;
	(tag) =	ssettag s2;
	_ =	strace s9  }
0x27: {  	s1 =	sld [smem:$0x3FAD]  }
0x28: {  	s2 =	sld [smem:$0x3FAE]  }
0x29: {  	s4 =	sld [smem:$0x3FB0]  }
0x2a: {  	p0 =	seq.s32 s5, $0x0;
	s5 =	sld [smem:$0x3FB1]  }
0x2b: {  	s6 =	sld [smem:$0x3FB2]  }
0x2c: {  	s7 =	sld [smem:$0x3FB3]  }
0x2d: {  	s3 =	simm.s32 $0x108;
	s8 =	sld [smem:$0x3FB4]  }
0x2e: {  	s3 =	simm.s32 @!p0 $0x1082;
	s9 =	sld [smem:$0x3FB5]  }
0x2f: {  	lr =	sadd.s32 s0, s3;
	s0 =	sld [smem:$0x3FAC]  }
0x30: {  	s3 =	sld [smem:$0x3FAF]  }
0x31: {  	[smem:$0x3FB8] =	sst s10  }
0x32: {  	s10 =	sld [smem:$0x3FB6];
	_ =	sdelay $0x3  }
0x33: {  	p0 =	seq.s32 s10, $0x1;
	s10 =	sld [smem:$0x3FB8];
	_ =	sdelay $0x3  }
0x34: {  	[smem:$0x3FB8] =	sst s10  }
0x35: {  	s10 =	sld [smem:$0x3FB7];
	_ =	sdelay $0x3  }
0x36: {  	p1 =	seq.s32 s10, $0x1;
	s10 =	sld [smem:$0x3FB8];
	_ =	sdelay $0x3  }
0x37: {  	[smem:$0x3FB8] =	sst s10  }
0x38: {  	s10 =	sld [smem:$0x3FB9]  }
0x39: {  	_ = 	snop;
	(pc) =	sbr.ind lr, $3  }
0x3a: {  	_ = 	snop  }
0x3b: {  	_ = 	snop  }
0x3c: {  	p2 =	seq.s32 s10, $0x1;
	s10 =	sld [smem:$0x3FB8]  }
0x3d: {  	_ =	shalt  }
0x3e: {  	_ =	shalt  }
0x3f: {  	_ =	shalt  }
0x40: {  	_ =	shalt  }
0x41: {  	_ =	shalt  }
0x42: {  	_ =	shalt  }
0x43: {  	_ =	shalt  }
0x44: {  	_ =	shalt  }
0x45: {  	_ =	shalt  }
0x46: {  	_ =	shalt  }
0x47: {  	_ =	shalt  }
0x48: {  	_ =	shalt  }
0x49: {  	_ =	shalt  }
0x4a: {  	_ =	shalt  }
0x4b: {  	_ =	shalt  }
0x4c: {  	_ =	shalt  }
0x4d: {  	_ =	shalt  }
0x4e: {  	_ =	shalt  }
0x4f: {  	_ =	shalt  }
0x50: {  	_ =	shalt  }
0x51: {  	_ =	shalt  }
0x52: {  	_ =	shalt  }
0x53: {  	_ =	shalt  }
0x54: {  	_ =	shalt  }
0x55: {  	_ =	shalt  }
0x56: {  	_ =	shalt  }
0x57: {  	_ =	shalt  }
0x58: {  	_ =	shalt  }
0x59: {  	_ =	shalt  }
0x5a: {  	_ =	shalt  }
0x5b: {  	_ =	shalt  }
0x5c: {  	_ =	shalt  }
0x5d: {  	_ =	shalt  }
0x5e: {  	_ =	shalt  }
0x5f: {  	_ =	shalt  }
0x60: {  	_ =	shalt  }
0x61: {  	_ =	shalt  }
0x62: {  	_ =	shalt  }
0x63: {  	_ =	shalt  }
0x64: {  	_ =	shalt  }
0x65: {  	_ =	shalt  }
0x66: {  	_ =	shalt  }
0x67: {  	_ =	shalt  }
0x68: {  	_ =	shalt  }
0x69: {  	_ =	shalt  }
0x6a: {  	_ =	shalt  }
0x6b: {  	_ =	shalt  }
0x6c: {  	_ =	shalt  }
0x6d: {  	_ =	shalt  }
0x6e: {  	_ =	shalt  }
0x6f: {  	_ =	shalt  }
0x70: {  	_ =	shalt  }
0x71: {  	_ =	shalt  }
0x72: {  	_ =	shalt  }
0x73: {  	_ =	shalt  }
0x74: {  	_ =	shalt  }
0x75: {  	_ =	shalt  }
0x76: {  	_ =	shalt  }
0x77: {  	_ =	shalt  }
0x78: {  	_ =	shalt  }
0x79: {  	_ =	shalt  }
0x7a: {  	_ =	shalt  }
0x7b: {  	_ =	shalt  }
0x7c: {  	_ =	shalt  }
0x7d: {  	_ =	shalt  }
0x7e: {  	_ =	shalt  }
0x7f: {  	_ =	shalt  }
0x80: {  	_ =	shalt  }
0x81: {  	_ =	shalt  }
0x82: {  	_ =	shalt  }
0x83: {  	_ =	shalt  }
0x84: {  	_ =	shalt  }
0x85: {  	_ =	shalt  }
0x86: {  	_ =	shalt  }
0x87: {  	_ =	shalt  }
.Lfunc_end0:
.L_simem_size_0:
called_computation_lowered:
.L_overlay_start_0:
0x88: {  	s2 =	sld [smem:$0x3FD9]  }
0x89: {  	s3 =	sld [smem:$0x3FFE];
	_ =	sdelay $0x1  }
0x8a: {  	s1 =	srdreg.scid  }
0x8b: {  	s0 =	sand.u32 $0x1, s1  }
0x8c: {  	s17 =	sshll.u32 s0, $0xA;
	s2 =	sadd.s32 s3, s2  }
0x8d: {  	s2 =	sadd.s32 s2, s17  }
0x8e: {  	[smem:$0x3FC4] =	sst s2  }
0x8f: {  	_ = 	snop  }
0x90: {  	s2 =	sld [smem:$0x3FD0];
	(tm) =	ssettm $0x1  }
0x91: {  	s18 =	sld [smem:$0x3FFB];
	_ =	sdelay $0x3  }
0x92: {  	_ =	strace s18  }
0x93: {  	s3 =	sld [smem:$0x3FFC];
	_ =	sdelay $0x3  }
0x94: {  	_ =	strace s3  }
0x95: {  	s3 =	sld [smem:$0x3FFD];
	_ =	sdelay $0x3  }
0x96: {  	_ =	strace s3  }
0x97: {  	_ =	strace $0x8FFFFFFF  }
0x98: {  	s19 =	sld [smem:$0x3FDB];
	_ =	sdelay $0x1  }
0x99: {  	s4 =	simm.s32 $_scs_section_size  }
0x9a: {  	s5 =	simm.s32 $_size__tile_overlayer_lowered;
	s6 =	simm.s32 $_tile_overlayer_lowered  }
0x9b: {  	s22 =	simm.s32 $0x1BFF;
	s21 =	sshll.u32 s6, $0x1;
	s3 =	sadd.s32 s4, s19  }
0x9c: {  	s7 =	simm.s32 $0x0;
	s20 =	sshll.u32 s5, $0x1;
	s5 =	sadd.s32 s21, s3  }
0x9d: {  	[timem:s7], [sflag:s22] =	dma.local [hbm:s5], s20  }
0x9e: {  	_ =	swait.ge [sflag:s22], s20  }
0x9f: {  	s4 =	ssub.s32 $0x0, s20;
	[sflag:s22] =	ssyncset.done $0x0  }
0xa0: {  	[sflag:s22] =	ssyncadd.s32 s4;
	_ =	sdelay $0x1  }
0xa1: {  	s23 =	simm.s32 $0x1B8B  }
0xa2: {  	_ =	swait.ge [sflag:s23], $0x1  }
0xa3: {  	[sflag:s23] =	ssyncset.done $0x0  }
0xa4: {  	s25 =	simm.s32 $0x1B8E;
	s24 =	sld [smem:$0x3FFE];
	[sflag:s23] =	ssyncadd.s32 $0xFFFFFFFF  }
0xa5: {  	s26 =	simm.s32 $execute0_lowered;
	[smem:$0x3FD2] =	sst s25  }
0xa6: {  	s5 =	sshll.u32 s26, $0x1;
	_ =	strace $0x80000046;
	[dreg:$0x1] =	wrdreg $0xFFFFFFFF  }
0xa7: {  	s28 =	simm.s32 $_size_execute0_lowered;
	s3 =	sadd.s32 s3, s5;
	[dreg:$0x0] =	wrdreg $0x0  }
0xa8: {  	s5 =	sshll.u32 s28, $0x1;
	[dreg:$0x2] =	wrdreg s3  }
0xa9: {  	[dreg:$0x3] =	wrdreg s5  }
0xaa: {  	[dreg:$0x4] =	wrdreg $0xC0  }
0xab: {  	_ =	task [dreg:s7], $0x5FFFF  }
0xac: {  	[dreg:$0x1] =	wrdreg $0xFFFFFFFF  }
0xad: {  	[dreg:$0x0] =	wrdreg $0x60  }
0xae: {  	[dreg:$0x2] =	wrdreg s24  }
0xaf: {  	[dreg:$0x3] =	wrdreg s2  }
0xb0: {  	[dreg:$0x4] =	wrdreg $0x9  }
0xb1: {  	_ =	task.clear_ibuf [dreg:s7], $0x5FFFF;
	_ =	strace $0x90000046  }
0xb2: {  	s29 =	simm.s32 $0x9;
	_ =	strace $0x80000048  }
0xb3: {  	_ =	swait.ge [sflag:s29], $0x1  }
0xb4: {  	[sflag:s29] =	ssyncadd.s32 $0xFFFFFFFF  }
0xb5: {  	_ =	strace $0x90000048  }
0xb6: {  	_ =	sfence  }
0xb7: {  	s30 =	sld [smem:$0x0];
	_ =	sdelay $0x2  }
0xb8: {  	s31 =	sshll.u32 s1, $0xD;
	s1 =	sshrl.u32 s1, $0x2  }
0xb9: {  	s3 =	sand.u32 $0x4000, s31;
	s1 =	sadd.s32 s1, s30  }
0xba: {  	s0 =	sor.u32 s3, s0;
	s1 =	sshll.u32 s1, $0x11  }
0xbb: {  	s0 =	sor.u32 s1, s0  }
0xbc: {  	s0 =	sadd.s32 $0x8F2B, s0  }
0xbd: {  	[sflag:s0] =	ssyncadd.remote.s32 $0x1  }
0xbe: {  	_ =	sfence.sel $0xFFFF  }
0xbf: {  	[dreg:$0x0] =	wrdreg $0xFFFFFFFF;
	(pc) =	sbr.abs _section_cstart, $3  }
0xc0: {  	[dreg:$0x1] =	wrdreg $0xFFFFFFFF  }
0xc1: {  	_ =	task.clear_ibuf [dreg:s7], $0x2FFFF;
	_ =	strace $0x9FFFFFFF  }
0xc2: {  	(tm) =	ssettm $0x7FFFFFFF  }
0xc3: {  	_ =	shalt  }
tec
execute0_lowered:
.L_overlay_start_1:
0x0: {  	(tag) =	ssettag $0x1  }
0x1: {  	s4 =	rddreg [dreg:$0x0];
	s1 =	srdreg.scid  }
0x2: {  	s0 =	stileid.u32;
	s6 =	rddreg [dreg:$0x1];
	s2 =	simm.s32 $0x0  }
0x3: {  	s10 =	simm.s32 $0x6400;
	s11 =	simm.s32 $0x1;
	s12 =	simm.s32 $0xC800  }
0x4: {  	s13 =	simm.s32 $0x0;
	s3 =	sand.u32 $0x1, s1;
	s1 =	rddreg [dreg:$0x2]  }
0x5: {  	s16 =	simm.s32 $0x0;
	s5 =	sshll.u32 s0, $0x1;
	[smem:$0x7FF] =	sst s2  }
0x6: {  	s5 =	sor.u32 s3, s5;
	_ =	strace $0x80000047;
	s8 =	ssub.s32 $0x2, s3  }
0x7: {  	s7 =	smul.u32 $0xC80, s5;
	s9 =	sshrl.u32 s8, $0x1;
	s31 =	sshll.u32 s5, $0x4  }
0x8: {  	s3 =	sadd.s32 $0xE00, s4;
	s8 =	ssub.s32 s8, s9;
	s6 =	sadd.s32 s6, s31  }
0x9: {  	s9 =	simm.s32 $0x2;
	s7 =	sadd.s32 s7, s4;
	s4 =	sadd.s32 $0x38E00, s4  }
0xa: {  	s5 =	sadd.s32 $0x1FE00, s7;
	s7 =	smax.u32 s8, $0x1;
	s8 =	simm.s32 $0xC880  }
.LBB2_1:
0xb: {  	[tilespmem:s8], [sflag:$0x2] =	stream.linear.gather [hbm4b:s4+s2], $0x80, $0x38;
	[tilespmem:$0xC900] =	vst v63  }
0xc: {  	_ =	swait.ge [sflag:s9], $0x80  }
0xd: {  	[sflag:s9] =	ssyncset.done $0x0  }
0xe: {  	[sflag:s9] =	ssyncadd.s32 $0xFFFFFF80  }
0xf: {  	[tilespmem:s2], [sflag:$0x2] =	stream.linear.gather [hbm4b:s5+s2], $0x6400, $0x38;
	[tilespmem:$0xC900] =	vst v63  }
0x10: {  	_ =	swait.ge [sflag:s9], $0x6400  }
0x11: {  	[sflag:s9] =	ssyncset.done $0x0  }
0x12: {  	[sflag:s9] =	ssyncadd.s32 $0xFFFF9C00  }
0x13: {  	[tilespmem:s10], [sflag:$0x1] =	stream.indirect.gather [hbm4b:s3+s10], $0x1, s2, s10, $0xb8;
	[tilespmem:$0xC900] =	vst v63  }
0x14: {  	_ =	swait.ge [sflag:s11], $0x6400  }
0x15: {  	[sflag:s11] =	ssyncset.done $0x0  }
0x16: {  	[sflag:s11] =	ssyncadd.s32 $0xFFFF9C00  }
0x17: {  	v1 =	vld [tilespmem:$0xC880]  }
0x18: {  	v0 =	vld [tilespmem:s16+$0x6470]  }
0x19: {  	v2 =	vld [tilespmem:s16+$0x6400]  }
0x1a: {  	v3 =	vld [tilespmem:s16+$0x6410]  }
0x1b: {  	v12 =	vld [tilespmem:s16+$0x6420]  }
0x1c: {  	v9 =	vld [tilespmem:s16+$0x6430]  }
0x1d: {  	v4 =	vld [tilespmem:s16+$0x6440]  }
0x1e: {  	v5 =	vld [tilespmem:s16+$0x6450];
	v0 =	vadd.f32 v0, v1;
	v6 =	vadd.f32 v2, v1  }
0x1f: {  	s14 =	simm.s32 $0x80;
	s15 =	simm.s32 $0x400;
	v10 =	vld [tilespmem:s16+$0x6460];
	v7 =	vadd.f32 v3, v1;
	v11 =	vmovc v1;
	v8 =	vmovc v1;
	v3 =	vmov v1;
	v2 =	vmov v1  }
.LBB2_2:
0x20: {  	p0 =	sne.s32 s15, $0x18E00;
	v13 =	vld [tilespmem:s14+$0x6470];
	v1 =	vadd.f32 v12, v1  }
0x21: {  	v14 =	vld [tilespmem:s14+$0x6400];
	v11 =	vadd.f32 v9, v11  }
0x22: {  	v15 =	vld [tilespmem:s14+$0x6410];
	v8 =	vadd.f32 v4, v8  }
.Ltmp0:
0x23: {  	v12 =	vld [tilespmem:s14+$0x6420];
	v3 =	vadd.f32 v5, v3;
	(pc) =	sbr.rel @p0 .LBB2_2-.Ltmp0, $4  }
0x24: {  	v9 =	vld [tilespmem:s14+$0x6430];
	v2 =	vadd.f32 v10, v2  }
0x25: {  	v4 =	vld [tilespmem:s14+$0x6440];
	v0 =	vadd.f32 v13, v0  }
0x26: {  	v6 =	vadd.f32 v14, v6;
	v5 =	vld [tilespmem:s14+$0x6450]  }
0x27: {  	v7 =	vadd.f32 v15, v7;
	v10 =	vld [tilespmem:s14+$0x6460];
	s14 =	sshra.s32 s15, $0x2;
	s15 =	sadd.s32 $0x200, s15  }
0x28: {  	v14 =	vld [tilespmem:s14+$0x6400]  }
0x29: {  	v15 =	vld [tilespmem:s14+$0x6410]  }
0x2a: {  	v16 =	vld [tilespmem:s14+$0x6420]  }
0x2b: {  	v17 =	vld [tilespmem:s14+$0x6430]  }
0x2c: {  	v18 =	vld [tilespmem:s14+$0x6440]  }
0x2d: {  	v1 =	vadd.f32 v12, v1;
	v60 =	vld [tilespmem:s14+$0x6450];
	v6 =	vadd.f32 v14, v6  }
0x2e: {  	v13 =	vld [tilespmem:s14+$0x6470];
	v9 =	vadd.f32 v9, v11;
	v7 =	vadd.f32 v15, v7  }
0x2f: {  	v61 =	vld [tilespmem:s14+$0x6460];
	v4 =	vadd.f32 v4, v8;
	v1 =	vadd.f32 v16, v1;
	[tilespmem:$0xC800] =	vst v6  }
0x30: {  	v3 =	vadd.f32 v5, v3;
	v62 =	vadd.f32 v17, v9;
	[tilespmem:$0xC810] =	vst v7  }
0x31: {  	v4 =	vadd.f32 v18, v4;
	[tilespmem:$0xC820] =	vst v1  }
0x32: {  	v2 =	vadd.f32 v10, v2;
	v63 =	vadd.f32 v60, v3;
	[tilespmem:$0xC830] =	vst v62  }
0x33: {  	v0 =	vadd.f32 v13, v0;
	[tilespmem:$0xC840] =	vst v4  }
0x34: {  	s13 =	sadd.s32 $0x1, s13;
	v2 =	vadd.f32 v61, v2;
	[tilespmem:$0xC850] =	vst v63  }
0x35: {  	p0 =	sne.s32 s13, s7;
	[tilespmem:$0xC870] =	vst v0  }
.Ltmp1:
0x36: {  	[tilespmem:$0xC860] =	vst v2;
	(pc) =	sbr.rel @p0 .LBB2_1-.Ltmp1, $4  }
0x37: {  	[hbm4b:s6+s2] =	stream.linear.scatter [tilespmem:s12], [sflag:$0x2], $0x80, $0x38;
	[tilespmem:$0xC900] =	vst v63  }
0x38: {  	_ =	swait.ge [sflag:s9], $0x80  }
0x39: {  	[sflag:s9] =	ssyncset.done $0x0  }
0x3a: {  	[sflag:s9] =	ssyncadd.s32 $0xFFFFFF80  }
0x3b: {  	_ =	sfence.sel $0x180000  }
0x3c: {  	[bflag:$0x0] =	sbarrier.arrive $0xFFFF  }
0x3d: {  	p0 =	sne.s32 s0, $0x0;
	_ =	strace $0x90000047  }
0x3e: {  	s0 =	sadd.s32 @!p0 $0x100000, s1;
	[bflag:$0x2] =	sbarrier.arrive $0xFFFF  }
0x3f: {  	[sflag:s0] =	ssyncadd.tile.s32 @!p0 $0x1;
	_ =	shalt  }
.Lfunc_end2:
_tile_overlayer_lowered:
.L_overlay_start_2:
0x40: {  	(tag) =	ssettag $0x2  }
0x41: {  	s0 =	rddreg [dreg:$0x0];
	s2 =	stileid.u32  }
0x42: {  	s1 =	rddreg [dreg:$0x1];
	p0 =	sne.s32 s2, $0x0  }
0x43: {  	s3 =	rddreg [dreg:$0x2];
	[bflag:$0x3] =	sbarrier.arrive $0xFFFF;
	s2 =	simm.s32 @!p0 $0x1C02  }
0x44: {  	[timem:s3], [sflag:s2] =	dma.local @!p0 [hbm:s0], s1  }
0x45: {  	s0 =	simm.s32 @!p0 $0x2  }
0x46: {  	_ =	swait.ge @!p0 [sflag:s0], s1  }
0x47: {  	s1 =	ssub.s32 @!p0 $0x0, s1;
	[sflag:s0] =	ssyncset.done @!p0 $0x0  }
0x48: {  	[sflag:s0] =	ssyncadd.s32 @!p0 s1  }
0x49: {  	[bflag:$0x3] =	sbarrier.arrive $0xFFFF  }
0x4a: {  	_ =	shalt  }

</sc_bundles>
